<compile_context>
chip_gen: v7x
topology: tpu7x:2x2x1
jax: 0.10.2.dev20260603
libtpu: 0.0.44.dev20260713+nightly
codegen_flags: <defaults>
</compile_context>

<pallas_src>
import dataclasses
import functools

import jax
import jax.numpy as jnp
from jax import lax
from jax.experimental import pallas as pl
from jax.experimental.pallas import tpu as pltpu
from jax.experimental.pallas import tpu_sc as plsc

BATCH = 16384
DIM = 32
NC = 2
NS = 16
NW = NC * NS
BPW = BATCH // NW
LANES = 16
NOCT = DIM // 8


def _sc_fused_kernel(ut_hbm, it_hbm, ui_hbm, ii_hbm, ue_hbm, ie_hbm,
                     au_hbm, ai_hbm, lu_hbm, li_hbm,
                     uidx_v, iidx_v, tu0, tu1, ti0, ti1,
                     urows_v, irows_v, uemb_v, iemb_v, uacc_v, iacc_v,
                     su0, su1, si0, si1, esem):
    wid = lax.axis_index("s") * NC + lax.axis_index("c")
    base = wid * BPW
    pltpu.sync_copy(ui_hbm.at[pl.ds(base, BPW)], uidx_v)
    pltpu.sync_copy(ii_hbm.at[pl.ds(base, BPW)], iidx_v)

    ue_cp = pltpu.async_copy(ue_hbm.at[:, pl.ds(base, BPW)], uemb_v, esem)
    ie_cp = pltpu.async_copy(ie_hbm.at[:, pl.ds(base, BPW)], iemb_v, esem)

    def prefetch(ru, ri, tu, ti, su, si):
        bu = pl.multiple_of((ru >> 7) << 7, 128)
        bi = pl.multiple_of((ri >> 7) << 7, 128)
        pltpu.async_copy(ut_hbm.at[:, pl.ds(bu, 128)], tu, su)
        pltpu.async_copy(it_hbm.at[:, pl.ds(bi, 128)], ti, si)

    def drain(tbuf, sem):
        pltpu.make_async_copy(ut_hbm.at[:, pl.ds(0, 128)], tbuf, sem).wait()

    dvec0 = lax.broadcasted_iota(jnp.int32, (LANES,), 0)
    dvec1 = dvec0 + LANES

    def extract(j, ridx, tbuf, rows):
        rmod = jnp.bitwise_and(ridx, 127)
        lvec = jnp.full((LANES,), rmod, jnp.int32)
        jvec = jnp.full((LANES,), j, jnp.int32)
        v0 = plsc.load_gather(tbuf, [dvec0, lvec])
        v1 = plsc.load_gather(tbuf, [dvec1, lvec])
        plsc.store_scatter(rows, [dvec0, jvec], v0)
        plsc.store_scatter(rows, [dvec1, jvec], v1)

    tu = (tu0, tu1)
    ti = (ti0, ti1)
    su = (su0, su1)
    si = (si0, si1)

    @pl.loop(0, BPW // LANES)
    def _(cidx):
        vu = uidx_v[pl.ds(cidx * LANES, LANES)]
        vi = iidx_v[pl.ds(cidx * LANES, LANES)]
        prefetch(vu[0], vi[0], tu0, ti0, su0, si0)
        prefetch(vu[1], vi[1], tu1, ti1, su1, si1)
        for l in range(LANES):
            s = l & 1
            j = cidx * LANES + l
            drain(tu[s], su[s])
            drain(ti[s], si[s])
            extract(j, vu[l], tu[s], urows_v)
            extract(j, vi[l], ti[s], irows_v)
            if l + 2 < LANES:
                prefetch(vu[l + 2], vi[l + 2], tu[s], ti[s], su[s], si[s])

    ue_cp.wait()
    ie_cp.wait()

    uacc_v[...] = jnp.zeros((LANES,), jnp.float32)
    iacc_v[...] = jnp.zeros((LANES,), jnp.float32)

    @pl.loop(0, DIM)
    def _(d):
        @pl.loop(0, BPW // LANES)
        def _(c):
            cs = pl.ds(c * LANES, LANES)
            ug = urows_v.at[d, cs][...]
            ig = irows_v.at[d, cs][...]
            ue = uemb_v.at[d, cs][...]
            ie = iemb_v.at[d, cs][...]
            uemb_v.at[d, cs][...] = ue + ug
            iemb_v.at[d, cs][...] = ie + ig
            du = ug - ie
            di = ig - ue
            uacc_v[...] += du * du
            iacc_v[...] += di * di

    pltpu.sync_copy(uemb_v, au_hbm.at[:, pl.ds(base, BPW)])
    pltpu.sync_copy(iemb_v, ai_hbm.at[:, pl.ds(base, BPW)])
    pltpu.sync_copy(uacc_v, lu_hbm.at[wid])
    pltpu.sync_copy(iacc_v, li_hbm.at[wid])


def _sc_fused(user_table_t, item_table_t, user_indices, item_indices,
              user_emb_t, item_emb_t):
    mesh = plsc.VectorSubcoreMesh(core_axis_name="c", subcore_axis_name="s")
    cp = pltpu.CompilerParams()
    if "needs_layout_passes" in pltpu.CompilerParams.__dataclass_fields__:
        cp = dataclasses.replace(cp, needs_layout_passes=False)
    run = functools.partial(
        pl.kernel,
        mesh=mesh,
        compiler_params=cp,
        out_type=(
            jax.ShapeDtypeStruct((DIM, BATCH), jnp.float32),
            jax.ShapeDtypeStruct((DIM, BATCH), jnp.float32),
            jax.ShapeDtypeStruct((NW, LANES), jnp.float32),
            jax.ShapeDtypeStruct((NW, LANES), jnp.float32),
        ),
        scratch_types=[
            pltpu.VMEM((BPW,), jnp.int32),
            pltpu.VMEM((BPW,), jnp.int32),
            pltpu.VMEM((DIM, 128), jnp.float32),
            pltpu.VMEM((DIM, 128), jnp.float32),
            pltpu.VMEM((DIM, 128), jnp.float32),
            pltpu.VMEM((DIM, 128), jnp.float32),
            pltpu.VMEM((DIM, BPW), jnp.float32),
            pltpu.VMEM((DIM, BPW), jnp.float32),
            pltpu.VMEM((DIM, BPW), jnp.float32),
            pltpu.VMEM((DIM, BPW), jnp.float32),
            pltpu.VMEM((LANES,), jnp.float32),
            pltpu.VMEM((LANES,), jnp.float32),
            pltpu.SemaphoreType.DMA,
            pltpu.SemaphoreType.DMA,
            pltpu.SemaphoreType.DMA,
            pltpu.SemaphoreType.DMA,
            pltpu.SemaphoreType.DMA,
        ],
    )(_sc_fused_kernel)
    return run(user_table_t, item_table_t, user_indices, item_indices,
               user_emb_t, item_emb_t)


def _tc_reduce_kernel(lu_ref, li_ref, luo_ref, lio_ref):
    inv_n = 1.0 / float(BATCH * DIM)
    luo_ref[...] = (jnp.sum(lu_ref[...]) * inv_n).reshape(1, 1)
    lio_ref[...] = (jnp.sum(li_ref[...]) * inv_n).reshape(1, 1)


def _tc_reduce(lu_part, li_part):
    return pl.pallas_call(
        _tc_reduce_kernel,
        out_shape=(
            jax.ShapeDtypeStruct((1, 1), jnp.float32),
            jax.ShapeDtypeStruct((1, 1), jnp.float32),
        ),
    )(lu_part, li_part)


def kernel(user_indices, item_indices, user_embedding, item_embedding,
           user_table, item_table):
    au_t, ai_t, lu_part, li_part = _sc_fused(
        user_table.T, item_table.T, user_indices, item_indices,
        user_embedding.T, item_embedding.T)
    lu, li = _tc_reduce(lu_part, li_part)
    return (au_t.T, ai_t.T, lu[0, 0], li[0, 0])

# --- scband reference (transcript-rebuilt; emitter-appended) ---
"""Pipeline reference for scband-adaptive-mimic-mechanism-2705829397364 (READ-ONLY COPY).

The authoritative reference and input builder live on the scoring server;
editing this copy changes nothing except your own understanding.
"""

import jax, jax.numpy as jnp
import numpy as np

NUM_USERS = 1000000
NUM_ITEMS = 1000000
EMBED_DIM = 32
BATCH = 16384
INIT_STD = 0.02


def setup_inputs(seed: int = 0) -> dict:
    key = jax.random.key(seed)
    k1, k2, k3, k4, k5, k6 = jax.random.split(key, 6)
    user_indices = jax.random.randint(k1, (BATCH,), 0, NUM_USERS, dtype=jnp.int64 if jax.config.jax_enable_x64 else jnp.int32).astype(jnp.int32)
    item_indices = jax.random.randint(k2, (BATCH,), 0, NUM_ITEMS, dtype=jnp.int32)
    user_embedding = jax.random.normal(k3, (BATCH, EMBED_DIM), dtype=jnp.float32)
    item_embedding = jax.random.normal(k4, (BATCH, EMBED_DIM), dtype=jnp.float32)
    user_table = jax.random.normal(k5, (NUM_USERS, EMBED_DIM), dtype=jnp.float32) * INIT_STD
    item_table = jax.random.normal(k6, (NUM_ITEMS, EMBED_DIM), dtype=jnp.float32) * INIT_STD
    return {
        "user_indices": user_indices,
        "item_indices": item_indices,
        "user_embedding": user_embedding,
        "item_embedding": item_embedding,
        "user_table": user_table,
        "item_table": item_table,
    }


def reference(user_indices, item_indices, user_embedding, item_embedding, user_table, item_table):
    # gather augmentation rows (embedding lookup)
    user_aug = jnp.take(user_table, user_indices.reshape(-1), axis=0).reshape(user_embedding.shape)
    item_aug = jnp.take(item_table, item_indices.reshape(-1), axis=0).reshape(item_embedding.shape)
    augmented_user = user_embedding + user_aug
    augmented_item = item_embedding + item_aug
    mimic_user_loss = jnp.mean((user_aug - jax.lax.stop_gradient(item_embedding)) ** 2)
    mimic_item_loss = jnp.mean((item_aug - jax.lax.stop_gradient(user_embedding)) ** 2)
    return (augmented_user, augmented_item, mimic_user_loss, mimic_item_loss)

if __name__ == "__main__":
    import jax
    _d = setup_inputs()
    print(jax.jit(kernel)(*tuple(_d.values())))

</pallas_src>

<mosaic_0001>
#map = affine_map<(d0, d1) -> (0, 0)>
#map1 = affine_map<(d0, d1) -> (0)>
module attributes {stable_mosaic.version = 14 : i64} {
  func.func @_sc_fused_kernel(%arg0: i32, %arg1: i32, %arg2: memref<32x1000000xf32, #tpu.memory_space<hbm>>, %arg3: memref<32x1000000xf32, #tpu.memory_space<hbm>>, %arg4: memref<16384xi32, #tpu.memory_space<hbm>>, %arg5: memref<16384xi32, #tpu.memory_space<hbm>>, %arg6: memref<32x16384xf32, #tpu.memory_space<hbm>>, %arg7: memref<32x16384xf32, #tpu.memory_space<hbm>>, %arg8: memref<32x16384xf32, #tpu.memory_space<hbm>>, %arg9: memref<32x16384xf32, #tpu.memory_space<hbm>>, %arg10: memref<32x16xf32, #tpu.memory_space<hbm>>, %arg11: memref<32x16xf32, #tpu.memory_space<hbm>>, %arg12: memref<512xi32, #tpu.memory_space<vmem>>, %arg13: memref<512xi32, #tpu.memory_space<vmem>>, %arg14: memref<32x128xf32, #tpu.memory_space<vmem>>, %arg15: memref<32x128xf32, #tpu.memory_space<vmem>>, %arg16: memref<32x128xf32, #tpu.memory_space<vmem>>, %arg17: memref<32x128xf32, #tpu.memory_space<vmem>>, %arg18: memref<32x512xf32, #tpu.memory_space<vmem>>, %arg19: memref<32x512xf32, #tpu.memory_space<vmem>>, %arg20: memref<32x512xf32, #tpu.memory_space<vmem>>, %arg21: memref<32x512xf32, #tpu.memory_space<vmem>>, %arg22: memref<16xf32, #tpu.memory_space<vmem>>, %arg23: memref<16xf32, #tpu.memory_space<vmem>>, %arg24: memref<!tpu.dma_semaphore, #tpu.memory_space<semaphore_mem>>, %arg25: memref<!tpu.dma_semaphore, #tpu.memory_space<semaphore_mem>>, %arg26: memref<!tpu.dma_semaphore, #tpu.memory_space<semaphore_mem>>, %arg27: memref<!tpu.dma_semaphore, #tpu.memory_space<semaphore_mem>>, %arg28: memref<!tpu.dma_semaphore, #tpu.memory_space<semaphore_mem>>) attributes {dimension_semantics = [#tpu.dimension_semantics<core_parallel>, #tpu.dimension_semantics<subcore_parallel>], iteration_bounds = array<i64: 2, 16>, scalar_prefetch = 0 : i64, scratch_operands = 17 : i64, tpu.core_type = #tpu.core_type<sc_vector_subcore>, window_params = [{transform_indices = #map}, {transform_indices = #map}, {transform_indices = #map1}, {transform_indices = #map1}, {transform_indices = #map}, {transform_indices = #map}, {transform_indices = #map}, {transform_indices = #map}, {transform_indices = #map}, {transform_indices = #map}]} {
    %mul3A = arith.constant 2 : i32
    %mul3A_0 = arith.muli %arg1, %mul3A : i32
    %add3A = arith.addi %mul3A_0, %arg0 : i32
    %mul3A_1 = arith.constant 512 : i32
    %mul3A_2 = arith.muli %add3A, %mul3A_1 : i32
    "tpu.region"() ({
      %run_scoped3A = tpu.sem_alloc : memref<!tpu.dma_semaphore, #tpu.memory_space<semaphore_mem>>
      %dma_start3A_35 = tpu.memref_slice %arg4[%mul3A_2] : memref<16384xi32, #tpu.memory_space<hbm>> -> memref<512xi32, #tpu.memory_space<hbm>>
      %dma_start3A_36 = tpu.memref_slice %arg4[%mul3A_2] : memref<16384xi32, #tpu.memory_space<hbm>> -> memref<512xi32, #tpu.memory_space<hbm>>
      tpu.enqueue_dma source(%dma_start3A_36 : memref<512xi32, #tpu.memory_space<hbm>>) target(%arg12 : memref<512xi32, #tpu.memory_space<vmem>>) target_semaphore(%run_scoped3A : memref<!tpu.dma_semaphore, #tpu.memory_space<semaphore_mem>>)
      %dma_wait3A_37 = tpu.memref_slice %arg4[%mul3A_2] : memref<16384xi32, #tpu.memory_space<hbm>> -> memref<512xi32, #tpu.memory_space<hbm>>
      %dma_wait3A_38 = tpu.memref_slice %arg4[%mul3A_2] : memref<16384xi32, #tpu.memory_space<hbm>> -> memref<512xi32, #tpu.memory_space<hbm>>
      tpu.wait_dma2 semaphore(%run_scoped3A : memref<!tpu.dma_semaphore, #tpu.memory_space<semaphore_mem>>) src(%dma_wait3A_38 : memref<512xi32, #tpu.memory_space<hbm>>) dst(%arg12 : memref<512xi32, #tpu.memory_space<vmem>>)
      tpu.yield
    }) : () -> ()
    "tpu.region"() ({
      %run_scoped3A = tpu.sem_alloc : memref<!tpu.dma_semaphore, #tpu.memory_space<semaphore_mem>>
      %dma_start3A_35 = tpu.memref_slice %arg5[%mul3A_2] : memref<16384xi32, #tpu.memory_space<hbm>> -> memref<512xi32, #tpu.memory_space<hbm>>
      %dma_start3A_36 = tpu.memref_slice %arg5[%mul3A_2] : memref<16384xi32, #tpu.memory_space<hbm>> -> memref<512xi32, #tpu.memory_space<hbm>>
      tpu.enqueue_dma source(%dma_start3A_36 : memref<512xi32, #tpu.memory_space<hbm>>) target(%arg13 : memref<512xi32, #tpu.memory_space<vmem>>) target_semaphore(%run_scoped3A : memref<!tpu.dma_semaphore, #tpu.memory_space<semaphore_mem>>)
      %dma_wait3A_37 = tpu.memref_slice %arg5[%mul3A_2] : memref<16384xi32, #tpu.memory_space<hbm>> -> memref<512xi32, #tpu.memory_space<hbm>>
      %dma_wait3A_38 = tpu.memref_slice %arg5[%mul3A_2] : memref<16384xi32, #tpu.memory_space<hbm>> -> memref<512xi32, #tpu.memory_space<hbm>>
      tpu.wait_dma2 semaphore(%run_scoped3A : memref<!tpu.dma_semaphore, #tpu.memory_space<semaphore_mem>>) src(%dma_wait3A_38 : memref<512xi32, #tpu.memory_space<hbm>>) dst(%arg13 : memref<512xi32, #tpu.memory_space<vmem>>)
      tpu.yield
    }) : () -> ()
    %dma_start3A = arith.constant 0 : i32
    %dma_start3A_3 = tpu.memref_slice %arg6[%dma_start3A, %mul3A_2] : memref<32x16384xf32, #tpu.memory_space<hbm>> -> memref<32x512xf32, #tpu.memory_space<hbm>>
    %dma_start3A_4 = arith.constant 0 : i32
    %dma_start3A_5 = tpu.memref_slice %arg6[%dma_start3A_4, %mul3A_2] : memref<32x16384xf32, #tpu.memory_space<hbm>> -> memref<32x512xf32, #tpu.memory_space<hbm>>
    tpu.enqueue_dma source(%dma_start3A_5 : memref<32x512xf32, #tpu.memory_space<hbm>>) target(%arg20 : memref<32x512xf32, #tpu.memory_space<vmem>>) target_semaphore(%arg28 : memref<!tpu.dma_semaphore, #tpu.memory_space<semaphore_mem>>)
    %dma_start3A_6 = arith.constant 0 : i32
    %dma_start3A_7 = tpu.memref_slice %arg7[%dma_start3A_6, %mul3A_2] : memref<32x16384xf32, #tpu.memory_space<hbm>> -> memref<32x512xf32, #tpu.memory_space<hbm>>
    %dma_start3A_8 = arith.constant 0 : i32
    %dma_start3A_9 = tpu.memref_slice %arg7[%dma_start3A_8, %mul3A_2] : memref<32x16384xf32, #tpu.memory_space<hbm>> -> memref<32x512xf32, #tpu.memory_space<hbm>>
    tpu.enqueue_dma source(%dma_start3A_9 : memref<32x512xf32, #tpu.memory_space<hbm>>) target(%arg21 : memref<32x512xf32, #tpu.memory_space<vmem>>) target_semaphore(%arg28 : memref<!tpu.dma_semaphore, #tpu.memory_space<semaphore_mem>>)
    %iota3A = tpu.iota {dimensions = array<i32: 0>} : vector<16xi32>
    %add3A_10 = arith.constant 16 : i32
    %add3A_11 = vector.broadcast %add3A_10 : i32 to vector<16xi32>
    %add3A_12 = arith.addi %iota3A, %add3A_11 : vector<16xi32>
    %scan3A = arith.constant 0 : i32
    %scan3A_13 = arith.constant 32 : i32
    %scan3A_14 = arith.addi %scan3A, %scan3A_13 : i32
    %scan3A_15 = arith.constant 1 : i32
    scf.for %scan3A_35 = %scan3A to %scan3A_14 step %scan3A_15  : i32 {
      %mul3A_36 = arith.constant 1 : i32
      %mul3A_37 = arith.muli %scan3A_35, %mul3A_36 : i32
      %add3A_38 = arith.constant 0 : i32
      %add3A_39 = arith.addi %add3A_38, %mul3A_37 : i32
      %mul3A_40 = arith.constant 16 : i32
      %mul3A_41 = arith.muli %add3A_39, %mul3A_40 : i32
      %get3A = arith.index_cast %mul3A_41 : i32 to index
      %get3A_42 = tpu.vector_load %arg12[%get3A] {strides = array<i32>} : memref<512xi32, #tpu.memory_space<vmem>>, vector<16xi32>,
      %mul3A_43 = arith.constant 16 : i32
      %mul3A_44 = arith.muli %add3A_39, %mul3A_43 : i32
      %get3A_45 = arith.index_cast %mul3A_44 : i32 to index
      %get3A_46 = tpu.vector_load %arg13[%get3A_45] {strides = array<i32>} : memref<512xi32, #tpu.memory_space<vmem>>, vector<16xi32>,
      %slice3A = vector.extract_strided_slice %get3A_42 {offsets = [0], sizes = [1], strides = [1]} : vector<16xi32> to vector<1xi32>
      %squeeze3A = vector.extract %slice3A[0] : i32 from vector<1xi32>
      %slice3A_47 = vector.extract_strided_slice %get3A_46 {offsets = [0], sizes = [1], strides = [1]} : vector<16xi32> to vector<1xi32>
      %squeeze3A_48 = vector.extract %slice3A_47[0] : i32 from vector<1xi32>
      %shift_right_arithmetic3A = arith.constant 7 : i32
      %shift_right_arithmetic3A_49 = arith.shrsi %squeeze3A, %shift_right_arithmetic3A : i32
      %shift_left3A = arith.constant 7 : i32
      %shift_left3A_50 = arith.shli %shift_right_arithmetic3A_49, %shift_left3A : i32
      %multiple_of3A = tpu.assume_multiple %shift_left3A_50, 128 : i32
      %shift_right_arithmetic3A_51 = arith.constant 7 : i32
      %shift_right_arithmetic3A_52 = arith.shrsi %squeeze3A_48, %shift_right_arithmetic3A_51 : i32
      %shift_left3A_53 = arith.constant 7 : i32
      %shift_left3A_54 = arith.shli %shift_right_arithmetic3A_52, %shift_left3A_53 : i32
      %multiple_of3A_55 = tpu.assume_multiple %shift_left3A_54, 128 : i32
      %dma_start3A_56 = arith.constant 0 : i32
      %dma_start3A_57 = tpu.memref_slice %arg2[%dma_start3A_56, %multiple_of3A] : memref<32x1000000xf32, #tpu.memory_space<hbm>> -> memref<32x128xf32, #tpu.memory_space<hbm>>
      %dma_start3A_58 = arith.constant 0 : i32
      %dma_start3A_59 = tpu.memref_slice %arg2[%dma_start3A_58, %multiple_of3A] : memref<32x1000000xf32, #tpu.memory_space<hbm>> -> memref<32x128xf32, #tpu.memory_space<hbm>>
      tpu.enqueue_dma source(%dma_start3A_59 : memref<32x128xf32, #tpu.memory_space<hbm>>) target(%arg14 : memref<32x128xf32, #tpu.memory_space<vmem>>) target_semaphore(%arg24 : memref<!tpu.dma_semaphore, #tpu.memory_space<semaphore_mem>>)
      %dma_start3A_60 = arith.constant 0 : i32
      %dma_start3A_61 = tpu.memref_slice %arg3[%dma_start3A_60, %multiple_of3A_55] : memref<32x1000000xf32, #tpu.memory_space<hbm>> -> memref<32x128xf32, #tpu.memory_space<hbm>>
      %dma_start3A_62 = arith.constant 0 : i32
      %dma_start3A_63 = tpu.memref_slice %arg3[%dma_start3A_62, %multiple_of3A_55] : memref<32x1000000xf32, #tpu.memory_space<hbm>> -> memref<32x128xf32, #tpu.memory_space<hbm>>
      tpu.enqueue_dma source(%dma_start3A_63 : memref<32x128xf32, #tpu.memory_space<hbm>>) target(%arg16 : memref<32x128xf32, #tpu.memory_space<vmem>>) target_semaphore(%arg26 : memref<!tpu.dma_semaphore, #tpu.memory_space<semaphore_mem>>)
      %slice3A_64 = vector.extract_strided_slice %get3A_42 {offsets = [1], sizes = [1], strides = [1]} : vector<16xi32> to vector<1xi32>
      %squeeze3A_65 = vector.extract %slice3A_64[0] : i32 from vector<1xi32>
      %slice3A_66 = vector.extract_strided_slice %get3A_46 {offsets = [1], sizes = [1], strides = [1]} : vector<16xi32> to vector<1xi32>
      %squeeze3A_67 = vector.extract %slice3A_66[0] : i32 from vector<1xi32>
      %shift_right_arithmetic3A_68 = arith.constant 7 : i32
      %shift_right_arithmetic3A_69 = arith.shrsi %squeeze3A_65, %shift_right_arithmetic3A_68 : i32
      %shift_left3A_70 = arith.constant 7 : i32
      %shift_left3A_71 = arith.shli %shift_right_arithmetic3A_69, %shift_left3A_70 : i32
      %multiple_of3A_72 = tpu.assume_multiple %shift_left3A_71, 128 : i32
      %shift_right_arithmetic3A_73 = arith.constant 7 : i32
      %shift_right_arithmetic3A_74 = arith.shrsi %squeeze3A_67, %shift_right_arithmetic3A_73 : i32
      %shift_left3A_75 = arith.constant 7 : i32
      %shift_left3A_76 = arith.shli %shift_right_arithmetic3A_74, %shift_left3A_75 : i32
      %multiple_of3A_77 = tpu.assume_multiple %shift_left3A_76, 128 : i32
      %dma_start3A_78 = arith.constant 0 : i32
      %dma_start3A_79 = tpu.memref_slice %arg2[%dma_start3A_78, %multiple_of3A_72] : memref<32x1000000xf32, #tpu.memory_space<hbm>> -> memref<32x128xf32, #tpu.memory_space<hbm>>
      %dma_start3A_80 = arith.constant 0 : i32
      %dma_start3A_81 = tpu.memref_slice %arg2[%dma_start3A_80, %multiple_of3A_72] : memref<32x1000000xf32, #tpu.memory_space<hbm>> -> memref<32x128xf32, #tpu.memory_space<hbm>>
      tpu.enqueue_dma source(%dma_start3A_81 : memref<32x128xf32, #tpu.memory_space<hbm>>) target(%arg15 : memref<32x128xf32, #tpu.memory_space<vmem>>) target_semaphore(%arg25 : memref<!tpu.dma_semaphore, #tpu.memory_space<semaphore_mem>>)
      %dma_start3A_82 = arith.constant 0 : i32
      %dma_start3A_83 = tpu.memref_slice %arg3[%dma_start3A_82, %multiple_of3A_77] : memref<32x1000000xf32, #tpu.memory_space<hbm>> -> memref<32x128xf32, #tpu.memory_space<hbm>>
      %dma_start3A_84 = arith.constant 0 : i32
      %dma_start3A_85 = tpu.memref_slice %arg3[%dma_start3A_84, %multiple_of3A_77] : memref<32x1000000xf32, #tpu.memory_space<hbm>> -> memref<32x128xf32, #tpu.memory_space<hbm>>
      tpu.enqueue_dma source(%dma_start3A_85 : memref<32x128xf32, #tpu.memory_space<hbm>>) target(%arg17 : memref<32x128xf32, #tpu.memory_space<vmem>>) target_semaphore(%arg27 : memref<!tpu.dma_semaphore, #tpu.memory_space<semaphore_mem>>)
      %mul3A_86 = arith.constant 16 : i32
      %mul3A_87 = arith.muli %add3A_39, %mul3A_86 : i32
      %add3A_88 = arith.constant 0 : i32
      %add3A_89 = arith.addi %mul3A_87, %add3A_88 : i32
      %dma_wait3A_90 = arith.constant 0 : i32
      %dma_wait3A_91 = arith.constant 0 : i32
      %dma_wait3A_92 = tpu.memref_slice %arg2[%dma_wait3A_90, %dma_wait3A_91] : memref<32x1000000xf32, #tpu.memory_space<hbm>> -> memref<32x128xf32, #tpu.memory_space<hbm>>
      %dma_wait3A_93 = arith.constant 0 : i32
      %dma_wait3A_94 = arith.constant 0 : i32
      %dma_wait3A_95 = tpu.memref_slice %arg2[%dma_wait3A_93, %dma_wait3A_94] : memref<32x1000000xf32, #tpu.memory_space<hbm>> -> memref<32x128xf32, #tpu.memory_space<hbm>>
      tpu.wait_dma2 semaphore(%arg24 : memref<!tpu.dma_semaphore, #tpu.memory_space<semaphore_mem>>) src(%dma_wait3A_95 : memref<32x128xf32, #tpu.memory_space<hbm>>) dst(%arg14 : memref<32x128xf32, #tpu.memory_space<vmem>>)
      %dma_wait3A_96 = arith.constant 0 : i32
      %dma_wait3A_97 = arith.constant 0 : i32
      %dma_wait3A_98 = tpu.memref_slice %arg2[%dma_wait3A_96, %dma_wait3A_97] : memref<32x1000000xf32, #tpu.memory_space<hbm>> -> memref<32x128xf32, #tpu.memory_space<hbm>>
      %dma_wait3A_99 = arith.constant 0 : i32
      %dma_wait3A_100 = arith.constant 0 : i32
      %dma_wait3A_101 = tpu.memref_slice %arg2[%dma_wait3A_99, %dma_wait3A_100] : memref<32x1000000xf32, #tpu.memory_space<hbm>> -> memref<32x128xf32, #tpu.memory_space<hbm>>
      tpu.wait_dma2 semaphore(%arg26 : memref<!tpu.dma_semaphore, #tpu.memory_space<semaphore_mem>>) src(%dma_wait3A_101 : memref<32x128xf32, #tpu.memory_space<hbm>>) dst(%arg16 : memref<32x128xf32, #tpu.memory_space<vmem>>)
      %slice3A_102 = vector.extract_strided_slice %get3A_42 {offsets = [0], sizes = [1], strides = [1]} : vector<16xi32> to vector<1xi32>
      %squeeze3A_103 = vector.extract %slice3A_102[0] : i32 from vector<1xi32>
      %and3A = arith.constant 127 : i32
      %and3A_104 = arith.andi %squeeze3A_103, %and3A : i32
      %broadcast_in_dim3A_105 = vector.broadcast %and3A_104 : i32 to vector<16xi32>
      %broadcast_in_dim3A_106 = vector.broadcast %add3A_89 : i32 to vector<16xi32>
      %gather3A = tpu.vector_load_idx %arg14[%iota3A, %broadcast_in_dim3A_105] : memref<32x128xf32, #tpu.memory_space<vmem>>[vector<16xi32>, vector<16xi32>], vector<16xf32>,
      %gather3A_107 = tpu.vector_load_idx %arg14[%add3A_12, %broadcast_in_dim3A_105] : memref<32x128xf32, #tpu.memory_space<vmem>>[vector<16xi32>, vector<16xi32>], vector<16xf32>,
      tpu.vector_store_idx %arg18[%iota3A, %broadcast_in_dim3A_106], %gather3A : memref<32x512xf32, #tpu.memory_space<vmem>>[vector<16xi32>, vector<16xi32>], vector<16xf32>,
      tpu.vector_store_idx %arg18[%add3A_12, %broadcast_in_dim3A_106], %gather3A_107 : memref<32x512xf32, #tpu.memory_space<vmem>>[vector<16xi32>, vector<16xi32>], vector<16xf32>,
      %slice3A_108 = vector.extract_strided_slice %get3A_46 {offsets = [0], sizes = [1], strides = [1]} : vector<16xi32> to vector<1xi32>
      %squeeze3A_109 = vector.extract %slice3A_108[0] : i32 from vector<1xi32>
      %and3A_110 = arith.constant 127 : i32
      %and3A_111 = arith.andi %squeeze3A_109, %and3A_110 : i32
      %broadcast_in_dim3A_112 = vector.broadcast %and3A_111 : i32 to vector<16xi32>
      %broadcast_in_dim3A_113 = vector.broadcast %add3A_89 : i32 to vector<16xi32>
      %gather3A_114 = tpu.vector_load_idx %arg16[%iota3A, %broadcast_in_dim3A_112] : memref<32x128xf32, #tpu.memory_space<vmem>>[vector<16xi32>, vector<16xi32>], vector<16xf32>,
      %gather3A_115 = tpu.vector_load_idx %arg16[%add3A_12, %broadcast_in_dim3A_112] : memref<32x128xf32, #tpu.memory_space<vmem>>[vector<16xi32>, vector<16xi32>], vector<16xf32>,
      tpu.vector_store_idx %arg19[%iota3A, %broadcast_in_dim3A_113], %gather3A_114 : memref<32x512xf32, #tpu.memory_space<vmem>>[vector<16xi32>, vector<16xi32>], vector<16xf32>,
      tpu.vector_store_idx %arg19[%add3A_12, %broadcast_in_dim3A_113], %gather3A_115 : memref<32x512xf32, #tpu.memory_space<vmem>>[vector<16xi32>, vector<16xi32>], vector<16xf32>,
      %slice3A_116 = vector.extract_strided_slice %get3A_42 {offsets = [2], sizes = [1], strides = [1]} : vector<16xi32> to vector<1xi32>
      %squeeze3A_117 = vector.extract %slice3A_116[0] : i32 from vector<1xi32>
      %slice3A_118 = vector.extract_strided_slice %get3A_46 {offsets = [2], sizes = [1], strides = [1]} : vector<16xi32> to vector<1xi32>
      %squeeze3A_119 = vector.extract %slice3A_118[0] : i32 from vector<1xi32>
      %shift_right_arithmetic3A_120 = arith.constant 7 : i32
      %shift_right_arithmetic3A_121 = arith.shrsi %squeeze3A_117, %shift_right_arithmetic3A_120 : i32
      %shift_left3A_122 = arith.constant 7 : i32
      %shift_left3A_123 = arith.shli %shift_right_arithmetic3A_121, %shift_left3A_122 : i32
      %multiple_of3A_124 = tpu.assume_multiple %shift_left3A_123, 128 : i32
      %shift_right_arithmetic3A_125 = arith.constant 7 : i32
      %shift_right_arithmetic3A_126 = arith.shrsi %squeeze3A_119, %shift_right_arithmetic3A_125 : i32
      %shift_left3A_127 = arith.constant 7 : i32
      %shift_left3A_128 = arith.shli %shift_right_arithmetic3A_126, %shift_left3A_127 : i32
      %multiple_of3A_129 = tpu.assume_multiple %shift_left3A_128, 128 : i32
      %dma_start3A_130 = arith.constant 0 : i32
      %dma_start3A_131 = tpu.memref_slice %arg2[%dma_start3A_130, %multiple_of3A_124] : memref<32x1000000xf32, #tpu.memory_space<hbm>> -> memref<32x128xf32, #tpu.memory_space<hbm>>
      %dma_start3A_132 = arith.constant 0 : i32
      %dma_start3A_133 = tpu.memref_slice %arg2[%dma_start3A_132, %multiple_of3A_124] : memref<32x1000000xf32, #tpu.memory_space<hbm>> -> memref<32x128xf32, #tpu.memory_space<hbm>>
      tpu.enqueue_dma source(%dma_start3A_133 : memref<32x128xf32, #tpu.memory_space<hbm>>) target(%arg14 : memref<32x128xf32, #tpu.memory_space<vmem>>) target_semaphore(%arg24 : memref<!tpu.dma_semaphore, #tpu.memory_space<semaphore_mem>>)
      %dma_start3A_134 = arith.constant 0 : i32
      %dma_start3A_135 = tpu.memref_slice %arg3[%dma_start3A_134, %multiple_of3A_129] : memref<32x1000000xf32, #tpu.memory_space<hbm>> -> memref<32x128xf32, #tpu.memory_space<hbm>>
      %dma_start3A_136 = arith.constant 0 : i32
      %dma_start3A_137 = tpu.memref_slice %arg3[%dma_start3A_136, %multiple_of3A_129] : memref<32x1000000xf32, #tpu.memory_space<hbm>> -> memref<32x128xf32, #tpu.memory_space<hbm>>
      tpu.enqueue_dma source(%dma_start3A_137 : memref<32x128xf32, #tpu.memory_space<hbm>>) target(%arg16 : memref<32x128xf32, #tpu.memory_space<vmem>>) target_semaphore(%arg26 : memref<!tpu.dma_semaphore, #tpu.memory_space<semaphore_mem>>)
      %mul3A_138 = arith.constant 16 : i32
      %mul3A_139 = arith.muli %add3A_39, %mul3A_138 : i32
      %add3A_140 = arith.constant 1 : i32
      %add3A_141 = arith.addi %mul3A_139, %add3A_140 : i32
      %dma_wait3A_142 = arith.constant 0 : i32
      %dma_wait3A_143 = arith.constant 0 : i32
      %dma_wait3A_144 = tpu.memref_slice %arg2[%dma_wait3A_142, %dma_wait3A_143] : memref<32x1000000xf32, #tpu.memory_space<hbm>> -> memref<32x128xf32, #tpu.memory_space<hbm>>
      %dma_wait3A_145 = arith.constant 0 : i32
      %dma_wait3A_146 = arith.constant 0 : i32
      %dma_wait3A_147 = tpu.memref_slice %arg2[%dma_wait3A_145, %dma_wait3A_146] : memref<32x1000000xf32, #tpu.memory_space<hbm>> -> memref<32x128xf32, #tpu.memory_space<hbm>>
      tpu.wait_dma2 semaphore(%arg25 : memref<!tpu.dma_semaphore, #tpu.memory_space<semaphore_mem>>) src(%dma_wait3A_147 : memref<32x128xf32, #tpu.memory_space<hbm>>) dst(%arg15 : memref<32x128xf32, #tpu.memory_space<vmem>>)
      %dma_wait3A_148 = arith.constant 0 : i32
      %dma_wait3A_149 = arith.constant 0 : i32
      %dma_wait3A_150 = tpu.memref_slice %arg2[%dma_wait3A_148, %dma_wait3A_149] : memref<32x1000000xf32, #tpu.memory_space<hbm>> -> memref<32x128xf32, #tpu.memory_space<hbm>>
      %dma_wait3A_151 = arith.constant 0 : i32
      %dma_wait3A_152 = arith.constant 0 : i32
      %dma_wait3A_153 = tpu.memref_slice %arg2[%dma_wait3A_151, %dma_wait3A_152] : memref<32x1000000xf32, #tpu.memory_space<hbm>> -> memref<32x128xf32, #tpu.memory_space<hbm>>
      tpu.wait_dma2 semaphore(%arg27 : memref<!tpu.dma_semaphore, #tpu.memory_space<semaphore_mem>>) src(%dma_wait3A_153 : memref<32x128xf32, #tpu.memory_space<hbm>>) dst(%arg17 : memref<32x128xf32, #tpu.memory_space<vmem>>)
      %slice3A_154 = vector.extract_strided_slice %get3A_42 {offsets = [1], sizes = [1], strides = [1]} : vector<16xi32> to vector<1xi32>
      %squeeze3A_155 = vector.extract %slice3A_154[0] : i32 from vector<1xi32>
      %and3A_156 = arith.constant 127 : i32
      %and3A_157 = arith.andi %squeeze3A_155, %and3A_156 : i32
      %broadcast_in_dim3A_158 = vector.broadcast %and3A_157 : i32 to vector<16xi32>
      %broadcast_in_dim3A_159 = vector.broadcast %add3A_141 : i32 to vector<16xi32>
      %gather3A_160 = tpu.vector_load_idx %arg15[%iota3A, %broadcast_in_dim3A_158] : memref<32x128xf32, #tpu.memory_space<vmem>>[vector<16xi32>, vector<16xi32>], vector<16xf32>,
      %gather3A_161 = tpu.vector_load_idx %arg15[%add3A_12, %broadcast_in_dim3A_158] : memref<32x128xf32, #tpu.memory_space<vmem>>[vector<16xi32>, vector<16xi32>], vector<16xf32>,
      tpu.vector_store_idx %arg18[%iota3A, %broadcast_in_dim3A_159], %gather3A_160 : memref<32x512xf32, #tpu.memory_space<vmem>>[vector<16xi32>, vector<16xi32>], vector<16xf32>,
      tpu.vector_store_idx %arg18[%add3A_12, %broadcast_in_dim3A_159], %gather3A_161 : memref<32x512xf32, #tpu.memory_space<vmem>>[vector<16xi32>, vector<16xi32>], vector<16xf32>,
      %slice3A_162 = vector.extract_strided_slice %get3A_46 {offsets = [1], sizes = [1], strides = [1]} : vector<16xi32> to vector<1xi32>
      %squeeze3A_163 = vector.extract %slice3A_162[0] : i32 from vector<1xi32>
      %and3A_164 = arith.constant 127 : i32
      %and3A_165 = arith.andi %squeeze3A_163, %and3A_164 : i32
      %broadcast_in_dim3A_166 = vector.broadcast %and3A_165 : i32 to vector<16xi32>
      %broadcast_in_dim3A_167 = vector.broadcast %add3A_141 : i32 to vector<16xi32>
      %gather3A_168 = tpu.vector_load_idx %arg17[%iota3A, %broadcast_in_dim3A_166] : memref<32x128xf32, #tpu.memory_space<vmem>>[vector<16xi32>, vector<16xi32>], vector<16xf32>,
      %gather3A_169 = tpu.vector_load_idx %arg17[%add3A_12, %broadcast_in_dim3A_166] : memref<32x128xf32, #tpu.memory_space<vmem>>[vector<16xi32>, vector<16xi32>], vector<16xf32>,
      tpu.vector_store_idx %arg19[%iota3A, %broadcast_in_dim3A_167], %gather3A_168 : memref<32x512xf32, #tpu.memory_space<vmem>>[vector<16xi32>, vector<16xi32>], vector<16xf32>,
      tpu.vector_store_idx %arg19[%add3A_12, %broadcast_in_dim3A_167], %gather3A_169 : memref<32x512xf32, #tpu.memory_space<vmem>>[vector<16xi32>, vector<16xi32>], vector<16xf32>,
      %slice3A_170 = vector.extract_strided_slice %get3A_42 {offsets = [3], sizes = [1], strides = [1]} : vector<16xi32> to vector<1xi32>
      %squeeze3A_171 = vector.extract %slice3A_170[0] : i32 from vector<1xi32>
      %slice3A_172 = vector.extract_strided_slice %get3A_46 {offsets = [3], sizes = [1], strides = [1]} : vector<16xi32> to vector<1xi32>
      %squeeze3A_173 = vector.extract %slice3A_172[0] : i32 from vector<1xi32>
      %shift_right_arithmetic3A_174 = arith.constant 7 : i32
      %shift_right_arithmetic3A_175 = arith.shrsi %squeeze3A_171, %shift_right_arithmetic3A_174 : i32
      %shift_left3A_176 = arith.constant 7 : i32
      %shift_left3A_177 = arith.shli %shift_right_arithmetic3A_175, %shift_left3A_176 : i32
      %multiple_of3A_178 = tpu.assume_multiple %shift_left3A_177, 128 : i32
      %shift_right_arithmetic3A_179 = arith.constant 7 : i32
      %shift_right_arithmetic3A_180 = arith.shrsi %squeeze3A_173, %shift_right_arithmetic3A_179 : i32
      %shift_left3A_181 = arith.constant 7 : i32
      %shift_left3A_182 = arith.shli %shift_right_arithmetic3A_180, %shift_left3A_181 : i32
      %multiple_of3A_183 = tpu.assume_multiple %shift_left3A_182, 128 : i32
      %dma_start3A_184 = arith.constant 0 : i32
      %dma_start3A_185 = tpu.memref_slice %arg2[%dma_start3A_184, %multiple_of3A_178] : memref<32x1000000xf32, #tpu.memory_space<hbm>> -> memref<32x128xf32, #tpu.memory_space<hbm>>
      %dma_start3A_186 = arith.constant 0 : i32
      %dma_start3A_187 = tpu.memref_slice %arg2[%dma_start3A_186, %multiple_of3A_178] : memref<32x1000000xf32, #tpu.memory_space<hbm>> -> memref<32x128xf32, #tpu.memory_space<hbm>>
      tpu.enqueue_dma source(%dma_start3A_187 : memref<32x128xf32, #tpu.memory_space<hbm>>) target(%arg15 : memref<32x128xf32, #tpu.memory_space<vmem>>) target_semaphore(%arg25 : memref<!tpu.dma_semaphore, #tpu.memory_space<semaphore_mem>>)
      %dma_start3A_188 = arith.constant 0 : i32
      %dma_start3A_189 = tpu.memref_slice %arg3[%dma_start3A_188, %multiple_of3A_183] : memref<32x1000000xf32, #tpu.memory_space<hbm>> -> memref<32x128xf32, #tpu.memory_space<hbm>>
      %dma_start3A_190 = arith.constant 0 : i32
      %dma_start3A_191 = tpu.memref_slice %arg3[%dma_start3A_190, %multiple_of3A_183] : memref<32x1000000xf32, #tpu.memory_space<hbm>> -> memref<32x128xf32, #tpu.memory_space<hbm>>
      tpu.enqueue_dma source(%dma_start3A_191 : memref<32x128xf32, #tpu.memory_space<hbm>>) target(%arg17 : memref<32x128xf32, #tpu.memory_space<vmem>>) target_semaphore(%arg27 : memref<!tpu.dma_semaphore, #tpu.memory_space<semaphore_mem>>)
      %mul3A_192 = arith.constant 16 : i32
      %mul3A_193 = arith.muli %add3A_39, %mul3A_192 : i32
      %add3A_194 = arith.constant 2 : i32
      %add3A_195 = arith.addi %mul3A_193, %add3A_194 : i32
      %dma_wait3A_196 = arith.constant 0 : i32
      %dma_wait3A_197 = arith.constant 0 : i32
      %dma_wait3A_198 = tpu.memref_slice %arg2[%dma_wait3A_196, %dma_wait3A_197] : memref<32x1000000xf32, #tpu.memory_space<hbm>> -> memref<32x128xf32, #tpu.memory_space<hbm>>
      %dma_wait3A_199 = arith.constant 0 : i32
      %dma_wait3A_200 = arith.constant 0 : i32
      %dma_wait3A_201 = tpu.memref_slice %arg2[%dma_wait3A_199, %dma_wait3A_200] : memref<32x1000000xf32, #tpu.memory_space<hbm>> -> memref<32x128xf32, #tpu.memory_space<hbm>>
      tpu.wait_dma2 semaphore(%arg24 : memref<!tpu.dma_semaphore, #tpu.memory_space<semaphore_mem>>) src(%dma_wait3A_201 : memref<32x128xf32, #tpu.memory_space<hbm>>) dst(%arg14 : memref<32x128xf32, #tpu.memory_space<vmem>>)
      %dma_wait3A_202 = arith.constant 0 : i32
      %dma_wait3A_203 = arith.constant 0 : i32
      %dma_wait3A_204 = tpu.memref_slice %arg2[%dma_wait3A_202, %dma_wait3A_203] : memref<32x1000000xf32, #tpu.memory_space<hbm>> -> memref<32x128xf32, #tpu.memory_space<hbm>>
      %dma_wait3A_205 = arith.constant 0 : i32
      %dma_wait3A_206 = arith.constant 0 : i32
      %dma_wait3A_207 = tpu.memref_slice %arg2[%dma_wait3A_205, %dma_wait3A_206] : memref<32x1000000xf32, #tpu.memory_space<hbm>> -> memref<32x128xf32, #tpu.memory_space<hbm>>
      tpu.wait_dma2 semaphore(%arg26 : memref<!tpu.dma_semaphore, #tpu.memory_space<semaphore_mem>>) src(%dma_wait3A_207 : memref<32x128xf32, #tpu.memory_space<hbm>>) dst(%arg16 : memref<32x128xf32, #tpu.memory_space<vmem>>)
      %slice3A_208 = vector.extract_strided_slice %get3A_42 {offsets = [2], sizes = [1], strides = [1]} : vector<16xi32> to vector<1xi32>
      %squeeze3A_209 = vector.extract %slice3A_208[0] : i32 from vector<1xi32>
      %and3A_210 = arith.constant 127 : i32
      %and3A_211 = arith.andi %squeeze3A_209, %and3A_210 : i32
      %broadcast_in_dim3A_212 = vector.broadcast %and3A_211 : i32 to vector<16xi32>
      %broadcast_in_dim3A_213 = vector.broadcast %add3A_195 : i32 to vector<16xi32>
      %gather3A_214 = tpu.vector_load_idx %arg14[%iota3A, %broadcast_in_dim3A_212] : memref<32x128xf32, #tpu.memory_space<vmem>>[vector<16xi32>, vector<16xi32>], vector<16xf32>,
      %gather3A_215 = tpu.vector_load_idx %arg14[%add3A_12, %broadcast_in_dim3A_212] : memref<32x128xf32, #tpu.memory_space<vmem>>[vector<16xi32>, vector<16xi32>], vector<16xf32>,
      tpu.vector_store_idx %arg18[%iota3A, %broadcast_in_dim3A_213], %gather3A_214 : memref<32x512xf32, #tpu.memory_space<vmem>>[vector<16xi32>, vector<16xi32>], vector<16xf32>,
      tpu.vector_store_idx %arg18[%add3A_12, %broadcast_in_dim3A_213], %gather3A_215 : memref<32x512xf32, #tpu.memory_space<vmem>>[vector<16xi32>, vector<16xi32>], vector<16xf32>,
      %slice3A_216 = vector.extract_strided_slice %get3A_46 {offsets = [2], sizes = [1], strides = [1]} : vector<16xi32> to vector<1xi32>
      %squeeze3A_217 = vector.extract %slice3A_216[0] : i32 from vector<1xi32>
      %and3A_218 = arith.constant 127 : i32
      %and3A_219 = arith.andi %squeeze3A_217, %and3A_218 : i32
      %broadcast_in_dim3A_220 = vector.broadcast %and3A_219 : i32 to vector<16xi32>
      %broadcast_in_dim3A_221 = vector.broadcast %add3A_195 : i32 to vector<16xi32>
      %gather3A_222 = tpu.vector_load_idx %arg16[%iota3A, %broadcast_in_dim3A_220] : memref<32x128xf32, #tpu.memory_space<vmem>>[vector<16xi32>, vector<16xi32>], vector<16xf32>,
      %gather3A_223 = tpu.vector_load_idx %arg16[%add3A_12, %broadcast_in_dim3A_220] : memref<32x128xf32, #tpu.memory_space<vmem>>[vector<16xi32>, vector<16xi32>], vector<16xf32>,
      tpu.vector_store_idx %arg19[%iota3A, %broadcast_in_dim3A_221], %gather3A_222 : memref<32x512xf32, #tpu.memory_space<vmem>>[vector<16xi32>, vector<16xi32>], vector<16xf32>,
      tpu.vector_store_idx %arg19[%add3A_12, %broadcast_in_dim3A_221], %gather3A_223 : memref<32x512xf32, #tpu.memory_space<vmem>>[vector<16xi32>, vector<16xi32>], vector<16xf32>,
      %slice3A_224 = vector.extract_strided_slice %get3A_42 {offsets = [4], sizes = [1], strides = [1]} : vector<16xi32> to vector<1xi32>
      %squeeze3A_225 = vector.extract %slice3A_224[0] : i32 from vector<1xi32>
      %slice3A_226 = vector.extract_strided_slice %get3A_46 {offsets = [4], sizes = [1], strides = [1]} : vector<16xi32> to vector<1xi32>
      %squeeze3A_227 = vector.extract %slice3A_226[0] : i32 from vector<1xi32>
      %shift_right_arithmetic3A_228 = arith.constant 7 : i32
      %shift_right_arithmetic3A_229 = arith.shrsi %squeeze3A_225, %shift_right_arithmetic3A_228 : i32
      %shift_left3A_230 = arith.constant 7 : i32
      %shift_left3A_231 = arith.shli %shift_right_arithmetic3A_229, %shift_left3A_230 : i32
      %multiple_of3A_232 = tpu.assume_multiple %shift_left3A_231, 128 : i32
      %shift_right_arithmetic3A_233 = arith.constant 7 : i32
      %shift_right_arithmetic3A_234 = arith.shrsi %squeeze3A_227, %shift_right_arithmetic3A_233 : i32
      %shift_left3A_235 = arith.constant 7 : i32
      %shift_left3A_236 = arith.shli %shift_right_arithmetic3A_234, %shift_left3A_235 : i32
      %multiple_of3A_237 = tpu.assume_multiple %shift_left3A_236, 128 : i32
      %dma_start3A_238 = arith.constant 0 : i32
      %dma_start3A_239 = tpu.memref_slice %arg2[%dma_start3A_238, %multiple_of3A_232] : memref<32x1000000xf32, #tpu.memory_space<hbm>> -> memref<32x128xf32, #tpu.memory_space<hbm>>
      %dma_start3A_240 = arith.constant 0 : i32
      %dma_start3A_241 = tpu.memref_slice %arg2[%dma_start3A_240, %multiple_of3A_232] : memref<32x1000000xf32, #tpu.memory_space<hbm>> -> memref<32x128xf32, #tpu.memory_space<hbm>>
      tpu.enqueue_dma source(%dma_start3A_241 : memref<32x128xf32, #tpu.memory_space<hbm>>) target(%arg14 : memref<32x128xf32, #tpu.memory_space<vmem>>) target_semaphore(%arg24 : memref<!tpu.dma_semaphore, #tpu.memory_space<semaphore_mem>>)
      %dma_start3A_242 = arith.constant 0 : i32
      %dma_start3A_243 = tpu.memref_slice %arg3[%dma_start3A_242, %multiple_of3A_237] : memref<32x1000000xf32, #tpu.memory_space<hbm>> -> memref<32x128xf32, #tpu.memory_space<hbm>>
      %dma_start3A_244 = arith.constant 0 : i32
      %dma_start3A_245 = tpu.memref_slice %arg3[%dma_start3A_244, %multiple_of3A_237] : memref<32x1000000xf32, #tpu.memory_space<hbm>> -> memref<32x128xf32, #tpu.memory_space<hbm>>
      tpu.enqueue_dma source(%dma_start3A_245 : memref<32x128xf32, #tpu.memory_space<hbm>>) target(%arg16 : memref<32x128xf32, #tpu.memory_space<vmem>>) target_semaphore(%arg26 : memref<!tpu.dma_semaphore, #tpu.memory_space<semaphore_mem>>)
      %mul3A_246 = arith.constant 16 : i32
      %mul3A_247 = arith.muli %add3A_39, %mul3A_246 : i32
      %add3A_248 = arith.constant 3 : i32
      %add3A_249 = arith.addi %mul3A_247, %add3A_248 : i32
      %dma_wait3A_250 = arith.constant 0 : i32
      %dma_wait3A_251 = arith.constant 0 : i32
      %dma_wait3A_252 = tpu.memref_slice %arg2[%dma_wait3A_250, %dma_wait3A_251] : memref<32x1000000xf32, #tpu.memory_space<hbm>> -> memref<32x128xf32, #tpu.memory_space<hbm>>
      %dma_wait3A_253 = arith.constant 0 : i32
      %dma_wait3A_254 = arith.constant 0 : i32
      %dma_wait3A_255 = tpu.memref_slice %arg2[%dma_wait3A_253, %dma_wait3A_254] : memref<32x1000000xf32, #tpu.memory_space<hbm>> -> memref<32x128xf32, #tpu.memory_space<hbm>>
      tpu.wait_dma2 semaphore(%arg25 : memref<!tpu.dma_semaphore, #tpu.memory_space<semaphore_mem>>) src(%dma_wait3A_255 : memref<32x128xf32, #tpu.memory_space<hbm>>) dst(%arg15 : memref<32x128xf32, #tpu.memory_space<vmem>>)
      %dma_wait3A_256 = arith.constant 0 : i32
      %dma_wait3A_257 = arith.constant 0 : i32
      %dma_wait3A_258 = tpu.memref_slice %arg2[%dma_wait3A_256, %dma_wait3A_257] : memref<32x1000000xf32, #tpu.memory_space<hbm>> -> memref<32x128xf32, #tpu.memory_space<hbm>>
      %dma_wait3A_259 = arith.constant 0 : i32
      %dma_wait3A_260 = arith.constant 0 : i32
      %dma_wait3A_261 = tpu.memref_slice %arg2[%dma_wait3A_259, %dma_wait3A_260] : memref<32x1000000xf32, #tpu.memory_space<hbm>> -> memref<32x128xf32, #tpu.memory_space<hbm>>
      tpu.wait_dma2 semaphore(%arg27 : memref<!tpu.dma_semaphore, #tpu.memory_space<semaphore_mem>>) src(%dma_wait3A_261 : memref<32x128xf32, #tpu.memory_space<hbm>>) dst(%arg17 : memref<32x128xf32, #tpu.memory_space<vmem>>)
      %slice3A_262 = vector.extract_strided_slice %get3A_42 {offsets = [3], sizes = [1], strides = [1]} : vector<16xi32> to vector<1xi32>
      %squeeze3A_263 = vector.extract %slice3A_262[0] : i32 from vector<1xi32>
      %and3A_264 = arith.constant 127 : i32
      %and3A_265 = arith.andi %squeeze3A_263, %and3A_264 : i32
      %broadcast_in_dim3A_266 = vector.broadcast %and3A_265 : i32 to vector<16xi32>
      %broadcast_in_dim3A_267 = vector.broadcast %add3A_249 : i32 to vector<16xi32>
      %gather3A_268 = tpu.vector_load_idx %arg15[%iota3A, %broadcast_in_dim3A_266] : memref<32x128xf32, #tpu.memory_space<vmem>>[vector<16xi32>, vector<16xi32>], vector<16xf32>,
      %gather3A_269 = tpu.vector_load_idx %arg15[%add3A_12, %broadcast_in_dim3A_266] : memref<32x128xf32, #tpu.memory_space<vmem>>[vector<16xi32>, vector<16xi32>], vector<16xf32>,
      tpu.vector_store_idx %arg18[%iota3A, %broadcast_in_dim3A_267], %gather3A_268 : memref<32x512xf32, #tpu.memory_space<vmem>>[vector<16xi32>, vector<16xi32>], vector<16xf32>,
      tpu.vector_store_idx %arg18[%add3A_12, %broadcast_in_dim3A_267], %gather3A_269 : memref<32x512xf32, #tpu.memory_space<vmem>>[vector<16xi32>, vector<16xi32>], vector<16xf32>,
      %slice3A_270 = vector.extract_strided_slice %get3A_46 {offsets = [3], sizes = [1], strides = [1]} : vector<16xi32> to vector<1xi32>
      %squeeze3A_271 = vector.extract %slice3A_270[0] : i32 from vector<1xi32>
      %and3A_272 = arith.constant 127 : i32
      %and3A_273 = arith.andi %squeeze3A_271, %and3A_272 : i32
      %broadcast_in_dim3A_274 = vector.broadcast %and3A_273 : i32 to vector<16xi32>
      %broadcast_in_dim3A_275 = vector.broadcast %add3A_249 : i32 to vector<16xi32>
      %gather3A_276 = tpu.vector_load_idx %arg17[%iota3A, %broadcast_in_dim3A_274] : memref<32x128xf32, #tpu.memory_space<vmem>>[vector<16xi32>, vector<16xi32>], vector<16xf32>,
      %gather3A_277 = tpu.vector_load_idx %arg17[%add3A_12, %broadcast_in_dim3A_274] : memref<32x128xf32, #tpu.memory_space<vmem>>[vector<16xi32>, vector<16xi32>], vector<16xf32>,
      tpu.vector_store_idx %arg19[%iota3A, %broadcast_in_dim3A_275], %gather3A_276 : memref<32x512xf32, #tpu.memory_space<vmem>>[vector<16xi32>, vector<16xi32>], vector<16xf32>,
      tpu.vector_store_idx %arg19[%add3A_12, %broadcast_in_dim3A_275], %gather3A_277 : memref<32x512xf32, #tpu.memory_space<vmem>>[vector<16xi32>, vector<16xi32>], vector<16xf32>,
      %slice3A_278 = vector.extract_strided_slice %get3A_42 {offsets = [5], sizes = [1], strides = [1]} : vector<16xi32> to vector<1xi32>
      %squeeze3A_279 = vector.extract %slice3A_278[0] : i32 from vector<1xi32>
      %slice3A_280 = vector.extract_strided_slice %get3A_46 {offsets = [5], sizes = [1], strides = [1]} : vector<16xi32> to vector<1xi32>
      %squeeze3A_281 = vector.extract %slice3A_280[0] : i32 from vector<1xi32>
      %shift_right_arithmetic3A_282 = arith.constant 7 : i32
      %shift_right_arithmetic3A_283 = arith.shrsi %squeeze3A_279, %shift_right_arithmetic3A_282 : i32
      %shift_left3A_284 = arith.constant 7 : i32
      %shift_left3A_285 = arith.shli %shift_right_arithmetic3A_283, %shift_left3A_284 : i32
      %multiple_of3A_286 = tpu.assume_multiple %shift_left3A_285, 128 : i32
      %shift_right_arithmetic3A_287 = arith.constant 7 : i32
      %shift_right_arithmetic3A_288 = arith.shrsi %squeeze3A_281, %shift_right_arithmetic3A_287 : i32
      %shift_left3A_289 = arith.constant 7 : i32
      %shift_left3A_290 = arith.shli %shift_right_arithmetic3A_288, %shift_left3A_289 : i32
      %multiple_of3A_291 = tpu.assume_multiple %shift_left3A_290, 128 : i32
      %dma_start3A_292 = arith.constant 0 : i32
      %dma_start3A_293 = tpu.memref_slice %arg2[%dma_start3A_292, %multiple_of3A_286] : memref<32x1000000xf32, #tpu.memory_space<hbm>> -> memref<32x128xf32, #tpu.memory_space<hbm>>
      %dma_start3A_294 = arith.constant 0 : i32
      %dma_start3A_295 = tpu.memref_slice %arg2[%dma_start3A_294, %multiple_of3A_286] : memref<32x1000000xf32, #tpu.memory_space<hbm>> -> memref<32x128xf32, #tpu.memory_space<hbm>>
      tpu.enqueue_dma source(%dma_start3A_295 : memref<32x128xf32, #tpu.memory_space<hbm>>) target(%arg15 : memref<32x128xf32, #tpu.memory_space<vmem>>) target_semaphore(%arg25 : memref<!tpu.dma_semaphore, #tpu.memory_space<semaphore_mem>>)
      %dma_start3A_296 = arith.constant 0 : i32
      %dma_start3A_297 = tpu.memref_slice %arg3[%dma_start3A_296, %multiple_of3A_291] : memref<32x1000000xf32, #tpu.memory_space<hbm>> -> memref<32x128xf32, #tpu.memory_space<hbm>>
      %dma_start3A_298 = arith.constant 0 : i32
      %dma_start3A_299 = tpu.memref_slice %arg3[%dma_start3A_298, %multiple_of3A_291] : memref<32x1000000xf32, #tpu.memory_space<hbm>> -> memref<32x128xf32, #tpu.memory_space<hbm>>
      tpu.enqueue_dma source(%dma_start3A_299 : memref<32x128xf32, #tpu.memory_space<hbm>>) target(%arg17 : memref<32x128xf32, #tpu.memory_space<vmem>>) target_semaphore(%arg27 : memref<!tpu.dma_semaphore, #tpu.memory_space<semaphore_mem>>)
      %mul3A_300 = arith.constant 16 : i32
      %mul3A_301 = arith.muli %add3A_39, %mul3A_300 : i32
      %add3A_302 = arith.constant 4 : i32
      %add3A_303 = arith.addi %mul3A_301, %add3A_302 : i32
      %dma_wait3A_304 = arith.constant 0 : i32
      %dma_wait3A_305 = arith.constant 0 : i32
      %dma_wait3A_306 = tpu.memref_slice %arg2[%dma_wait3A_304, %dma_wait3A_305] : memref<32x1000000xf32, #tpu.memory_space<hbm>> -> memref<32x128xf32, #tpu.memory_space<hbm>>
      %dma_wait3A_307 = arith.constant 0 : i32
      %dma_wait3A_308 = arith.constant 0 : i32
      %dma_wait3A_309 = tpu.memref_slice %arg2[%dma_wait3A_307, %dma_wait3A_308] : memref<32x1000000xf32, #tpu.memory_space<hbm>> -> memref<32x128xf32, #tpu.memory_space<hbm>>
      tpu.wait_dma2 semaphore(%arg24 : memref<!tpu.dma_semaphore, #tpu.memory_space<semaphore_mem>>) src(%dma_wait3A_309 : memref<32x128xf32, #tpu.memory_space<hbm>>) dst(%arg14 : memref<32x128xf32, #tpu.memory_space<vmem>>)
      %dma_wait3A_310 = arith.constant 0 : i32
      %dma_wait3A_311 = arith.constant 0 : i32
      %dma_wait3A_312 = tpu.memref_slice %arg2[%dma_wait3A_310, %dma_wait3A_311] : memref<32x1000000xf32, #tpu.memory_space<hbm>> -> memref<32x128xf32, #tpu.memory_space<hbm>>
      %dma_wait3A_313 = arith.constant 0 : i32
      %dma_wait3A_314 = arith.constant 0 : i32
      %dma_wait3A_315 = tpu.memref_slice %arg2[%dma_wait3A_313, %dma_wait3A_314] : memref<32x1000000xf32, #tpu.memory_space<hbm>> -> memref<32x128xf32, #tpu.memory_space<hbm>>
      tpu.wait_dma2 semaphore(%arg26 : memref<!tpu.dma_semaphore, #tpu.memory_space<semaphore_mem>>) src(%dma_wait3A_315 : memref<32x128xf32, #tpu.memory_space<hbm>>) dst(%arg16 : memref<32x128xf32, #tpu.memory_space<vmem>>)
      %slice3A_316 = vector.extract_strided_slice %get3A_42 {offsets = [4], sizes = [1], strides = [1]} : vector<16xi32> to vector<1xi32>
      %squeeze3A_317 = vector.extract %slice3A_316[0] : i32 from vector<1xi32>
      %and3A_318 = arith.constant 127 : i32
      %and3A_319 = arith.andi %squeeze3A_317, %and3A_318 : i32
      %broadcast_in_dim3A_320 = vector.broadcast %and3A_319 : i32 to vector<16xi32>
      %broadcast_in_dim3A_321 = vector.broadcast %add3A_303 : i32 to vector<16xi32>
      %gather3A_322 = tpu.vector_load_idx %arg14[%iota3A, %broadcast_in_dim3A_320] : memref<32x128xf32, #tpu.memory_space<vmem>>[vector<16xi32>, vector<16xi32>], vector<16xf32>,
      %gather3A_323 = tpu.vector_load_idx %arg14[%add3A_12, %broadcast_in_dim3A_320] : memref<32x128xf32, #tpu.memory_space<vmem>>[vector<16xi32>, vector<16xi32>], vector<16xf32>,
      tpu.vector_store_idx %arg18[%iota3A, %broadcast_in_dim3A_321], %gather3A_322 : memref<32x512xf32, #tpu.memory_space<vmem>>[vector<16xi32>, vector<16xi32>], vector<16xf32>,
      tpu.vector_store_idx %arg18[%add3A_12, %broadcast_in_dim3A_321], %gather3A_323 : memref<32x512xf32, #tpu.memory_space<vmem>>[vector<16xi32>, vector<16xi32>], vector<16xf32>,
      %slice3A_324 = vector.extract_strided_slice %get3A_46 {offsets = [4], sizes = [1], strides = [1]} : vector<16xi32> to vector<1xi32>
      %squeeze3A_325 = vector.extract %slice3A_324[0] : i32 from vector<1xi32>
      %and3A_326 = arith.constant 127 : i32
      %and3A_327 = arith.andi %squeeze3A_325, %and3A_326 : i32
      %broadcast_in_dim3A_328 = vector.broadcast %and3A_327 : i32 to vector<16xi32>
      %broadcast_in_dim3A_329 = vector.broadcast %add3A_303 : i32 to vector<16xi32>
      %gather3A_330 = tpu.vector_load_idx %arg16[%iota3A, %broadcast_in_dim3A_328] : memref<32x128xf32, #tpu.memory_space<vmem>>[vector<16xi32>, vector<16xi32>], vector<16xf32>,
      %gather3A_331 = tpu.vector_load_idx %arg16[%add3A_12, %broadcast_in_dim3A_328] : memref<32x128xf32, #tpu.memory_space<vmem>>[vector<16xi32>, vector<16xi32>], vector<16xf32>,
      tpu.vector_store_idx %arg19[%iota3A, %broadcast_in_dim3A_329], %gather3A_330 : memref<32x512xf32, #tpu.memory_space<vmem>>[vector<16xi32>, vector<16xi32>], vector<16xf32>,
      tpu.vector_store_idx %arg19[%add3A_12, %broadcast_in_dim3A_329], %gather3A_331 : memref<32x512xf32, #tpu.memory_space<vmem>>[vector<16xi32>, vector<16xi32>], vector<16xf32>,
      %slice3A_332 = vector.extract_strided_slice %get3A_42 {offsets = [6], sizes = [1], strides = [1]} : vector<16xi32> to vector<1xi32>
      %squeeze3A_333 = vector.extract %slice3A_332[0] : i32 from vector<1xi32>
      %slice3A_334 = vector.extract_strided_slice %get3A_46 {offsets = [6], sizes = [1], strides = [1]} : vector<16xi32> to vector<1xi32>
      %squeeze3A_335 = vector.extract %slice3A_334[0] : i32 from vector<1xi32>
      %shift_right_arithmetic3A_336 = arith.constant 7 : i32
      %shift_right_arithmetic3A_337 = arith.shrsi %squeeze3A_333, %shift_right_arithmetic3A_336 : i32
      %shift_left3A_338 = arith.constant 7 : i32
      %shift_left3A_339 = arith.shli %shift_right_arithmetic3A_337, %shift_left3A_338 : i32
      %multiple_of3A_340 = tpu.assume_multiple %shift_left3A_339, 128 : i32
      %shift_right_arithmetic3A_341 = arith.constant 7 : i32
      %shift_right_arithmetic3A_342 = arith.shrsi %squeeze3A_335, %shift_right_arithmetic3A_341 : i32
      %shift_left3A_343 = arith.constant 7 : i32
      %shift_left3A_344 = arith.shli %shift_right_arithmetic3A_342, %shift_left3A_343 : i32
      %multiple_of3A_345 = tpu.assume_multiple %shift_left3A_344, 128 : i32
      %dma_start3A_346 = arith.constant 0 : i32
      %dma_start3A_347 = tpu.memref_slice %arg2[%dma_start3A_346, %multiple_of3A_340] : memref<32x1000000xf32, #tpu.memory_space<hbm>> -> memref<32x128xf32, #tpu.memory_space<hbm>>
      %dma_start3A_348 = arith.constant 0 : i32
      %dma_start3A_349 = tpu.memref_slice %arg2[%dma_start3A_348, %multiple_of3A_340] : memref<32x1000000xf32, #tpu.memory_space<hbm>> -> memref<32x128xf32, #tpu.memory_space<hbm>>
      tpu.enqueue_dma source(%dma_start3A_349 : memref<32x128xf32, #tpu.memory_space<hbm>>) target(%arg14 : memref<32x128xf32, #tpu.memory_space<vmem>>) target_semaphore(%arg24 : memref<!tpu.dma_semaphore, #tpu.memory_space<semaphore_mem>>)
      %dma_start3A_350 = arith.constant 0 : i32
      %dma_start3A_351 = tpu.memref_slice %arg3[%dma_start3A_350, %multiple_of3A_345] : memref<32x1000000xf32, #tpu.memory_space<hbm>> -> memref<32x128xf32, #tpu.memory_space<hbm>>
      %dma_start3A_352 = arith.constant 0 : i32
      %dma_start3A_353 = tpu.memref_slice %arg3[%dma_start3A_352, %multiple_of3A_345] : memref<32x1000000xf32, #tpu.memory_space<hbm>> -> memref<32x128xf32, #tpu.memory_space<hbm>>
      tpu.enqueue_dma source(%dma_start3A_353 : memref<32x128xf32, #tpu.memory_space<hbm>>) target(%arg16 : memref<32x128xf32, #tpu.memory_space<vmem>>) target_semaphore(%arg26 : memref<!tpu.dma_semaphore, #tpu.memory_space<semaphore_mem>>)
      %mul3A_354 = arith.constant 16 : i32
      %mul3A_355 = arith.muli %add3A_39, %mul3A_354 : i32
      %add3A_356 = arith.constant 5 : i32
      %add3A_357 = arith.addi %mul3A_355, %add3A_356 : i32
      %dma_wait3A_358 = arith.constant 0 : i32
      %dma_wait3A_359 = arith.constant 0 : i32
      %dma_wait3A_360 = tpu.memref_slice %arg2[%dma_wait3A_358, %dma_wait3A_359] : memref<32x1000000xf32, #tpu.memory_space<hbm>> -> memref<32x128xf32, #tpu.memory_space<hbm>>
      %dma_wait3A_361 = arith.constant 0 : i32
      %dma_wait3A_362 = arith.constant 0 : i32
      %dma_wait3A_363 = tpu.memref_slice %arg2[%dma_wait3A_361, %dma_wait3A_362] : memref<32x1000000xf32, #tpu.memory_space<hbm>> -> memref<32x128xf32, #tpu.memory_space<hbm>>
      tpu.wait_dma2 semaphore(%arg25 : memref<!tpu.dma_semaphore, #tpu.memory_space<semaphore_mem>>) src(%dma_wait3A_363 : memref<32x128xf32, #tpu.memory_space<hbm>>) dst(%arg15 : memref<32x128xf32, #tpu.memory_space<vmem>>)
      %dma_wait3A_364 = arith.constant 0 : i32
      %dma_wait3A_365 = arith.constant 0 : i32
      %dma_wait3A_366 = tpu.memref_slice %arg2[%dma_wait3A_364, %dma_wait3A_365] : memref<32x1000000xf32, #tpu.memory_space<hbm>> -> memref<32x128xf32, #tpu.memory_space<hbm>>
      %dma_wait3A_367 = arith.constant 0 : i32
      %dma_wait3A_368 = arith.constant 0 : i32
      %dma_wait3A_369 = tpu.memref_slice %arg2[%dma_wait3A_367, %dma_wait3A_368] : memref<32x1000000xf32, #tpu.memory_space<hbm>> -> memref<32x128xf32, #tpu.memory_space<hbm>>
      tpu.wait_dma2 semaphore(%arg27 : memref<!tpu.dma_semaphore, #tpu.memory_space<semaphore_mem>>) src(%dma_wait3A_369 : memref<32x128xf32, #tpu.memory_space<hbm>>) dst(%arg17 : memref<32x128xf32, #tpu.memory_space<vmem>>)
      %slice3A_370 = vector.extract_strided_slice %get3A_42 {offsets = [5], sizes = [1], strides = [1]} : vector<16xi32> to vector<1xi32>
      %squeeze3A_371 = vector.extract %slice3A_370[0] : i32 from vector<1xi32>
      %and3A_372 = arith.constant 127 : i32
      %and3A_373 = arith.andi %squeeze3A_371, %and3A_372 : i32
      %broadcast_in_dim3A_374 = vector.broadcast %and3A_373 : i32 to vector<16xi32>
      %broadcast_in_dim3A_375 = vector.broadcast %add3A_357 : i32 to vector<16xi32>
      %gather3A_376 = tpu.vector_load_idx %arg15[%iota3A, %broadcast_in_dim3A_374] : memref<32x128xf32, #tpu.memory_space<vmem>>[vector<16xi32>, vector<16xi32>], vector<16xf32>,
      %gather3A_377 = tpu.vector_load_idx %arg15[%add3A_12, %broadcast_in_dim3A_374] : memref<32x128xf32, #tpu.memory_space<vmem>>[vector<16xi32>, vector<16xi32>], vector<16xf32>,
      tpu.vector_store_idx %arg18[%iota3A, %broadcast_in_dim3A_375], %gather3A_376 : memref<32x512xf32, #tpu.memory_space<vmem>>[vector<16xi32>, vector<16xi32>], vector<16xf32>,
      tpu.vector_store_idx %arg18[%add3A_12, %broadcast_in_dim3A_375], %gather3A_377 : memref<32x512xf32, #tpu.memory_space<vmem>>[vector<16xi32>, vector<16xi32>], vector<16xf32>,
      %slice3A_378 = vector.extract_strided_slice %get3A_46 {offsets = [5], sizes = [1], strides = [1]} : vector<16xi32> to vector<1xi32>
      %squeeze3A_379 = vector.extract %slice3A_378[0] : i32 from vector<1xi32>
      %and3A_380 = arith.constant 127 : i32
      %and3A_381 = arith.andi %squeeze3A_379, %and3A_380 : i32
      %broadcast_in_dim3A_382 = vector.broadcast %and3A_381 : i32 to vector<16xi32>
      %broadcast_in_dim3A_383 = vector.broadcast %add3A_357 : i32 to vector<16xi32>
      %gather3A_384 = tpu.vector_load_idx %arg17[%iota3A, %broadcast_in_dim3A_382] : memref<32x128xf32, #tpu.memory_space<vmem>>[vector<16xi32>, vector<16xi32>], vector<16xf32>,
      %gather3A_385 = tpu.vector_load_idx %arg17[%add3A_12, %broadcast_in_dim3A_382] : memref<32x128xf32, #tpu.memory_space<vmem>>[vector<16xi32>, vector<16xi32>], vector<16xf32>,
      tpu.vector_store_idx %arg19[%iota3A, %broadcast_in_dim3A_383], %gather3A_384 : memref<32x512xf32, #tpu.memory_space<vmem>>[vector<16xi32>, vector<16xi32>], vector<16xf32>,
      tpu.vector_store_idx %arg19[%add3A_12, %broadcast_in_dim3A_383], %gather3A_385 : memref<32x512xf32, #tpu.memory_space<vmem>>[vector<16xi32>, vector<16xi32>], vector<16xf32>,
      %slice3A_386 = vector.extract_strided_slice %get3A_42 {offsets = [7], sizes = [1], strides = [1]} : vector<16xi32> to vector<1xi32>
      %squeeze3A_387 = vector.extract %slice3A_386[0] : i32 from vector<1xi32>
      %slice3A_388 = vector.extract_strided_slice %get3A_46 {offsets = [7], sizes = [1], strides = [1]} : vector<16xi32> to vector<1xi32>
      %squeeze3A_389 = vector.extract %slice3A_388[0] : i32 from vector<1xi32>
      %shift_right_arithmetic3A_390 = arith.constant 7 : i32
      %shift_right_arithmetic3A_391 = arith.shrsi %squeeze3A_387, %shift_right_arithmetic3A_390 : i32
      %shift_left3A_392 = arith.constant 7 : i32
      %shift_left3A_393 = arith.shli %shift_right_arithmetic3A_391, %shift_left3A_392 : i32
      %multiple_of3A_394 = tpu.assume_multiple %shift_left3A_393, 128 : i32
      %shift_right_arithmetic3A_395 = arith.constant 7 : i32
      %shift_right_arithmetic3A_396 = arith.shrsi %squeeze3A_389, %shift_right_arithmetic3A_395 : i32
      %shift_left3A_397 = arith.constant 7 : i32
      %shift_left3A_398 = arith.shli %shift_right_arithmetic3A_396, %shift_left3A_397 : i32
      %multiple_of3A_399 = tpu.assume_multiple %shift_left3A_398, 128 : i32
      %dma_start3A_400 = arith.constant 0 : i32
      %dma_start3A_401 = tpu.memref_slice %arg2[%dma_start3A_400, %multiple_of3A_394] : memref<32x1000000xf32, #tpu.memory_space<hbm>> -> memref<32x128xf32, #tpu.memory_space<hbm>>
      %dma_start3A_402 = arith.constant 0 : i32
      %dma_start3A_403 = tpu.memref_slice %arg2[%dma_start3A_402, %multiple_of3A_394] : memref<32x1000000xf32, #tpu.memory_space<hbm>> -> memref<32x128xf32, #tpu.memory_space<hbm>>
      tpu.enqueue_dma source(%dma_start3A_403 : memref<32x128xf32, #tpu.memory_space<hbm>>) target(%arg15 : memref<32x128xf32, #tpu.memory_space<vmem>>) target_semaphore(%arg25 : memref<!tpu.dma_semaphore, #tpu.memory_space<semaphore_mem>>)
      %dma_start3A_404 = arith.constant 0 : i32
      %dma_start3A_405 = tpu.memref_slice %arg3[%dma_start3A_404, %multiple_of3A_399] : memref<32x1000000xf32, #tpu.memory_space<hbm>> -> memref<32x128xf32, #tpu.memory_space<hbm>>
      %dma_start3A_406 = arith.constant 0 : i32
      %dma_start3A_407 = tpu.memref_slice %arg3[%dma_start3A_406, %multiple_of3A_399] : memref<32x1000000xf32, #tpu.memory_space<hbm>> -> memref<32x128xf32, #tpu.memory_space<hbm>>
      tpu.enqueue_dma source(%dma_start3A_407 : memref<32x128xf32, #tpu.memory_space<hbm>>) target(%arg17 : memref<32x128xf32, #tpu.memory_space<vmem>>) target_semaphore(%arg27 : memref<!tpu.dma_semaphore, #tpu.memory_space<semaphore_mem>>)
      %mul3A_408 = arith.constant 16 : i32
      %mul3A_409 = arith.muli %add3A_39, %mul3A_408 : i32
      %add3A_410 = arith.constant 6 : i32
      %add3A_411 = arith.addi %mul3A_409, %add3A_410 : i32
      %dma_wait3A_412 = arith.constant 0 : i32
      %dma_wait3A_413 = arith.constant 0 : i32
      %dma_wait3A_414 = tpu.memref_slice %arg2[%dma_wait3A_412, %dma_wait3A_413] : memref<32x1000000xf32, #tpu.memory_space<hbm>> -> memref<32x128xf32, #tpu.memory_space<hbm>>
      %dma_wait3A_415 = arith.constant 0 : i32
      %dma_wait3A_416 = arith.constant 0 : i32
      %dma_wait3A_417 = tpu.memref_slice %arg2[%dma_wait3A_415, %dma_wait3A_416] : memref<32x1000000xf32, #tpu.memory_space<hbm>> -> memref<32x128xf32, #tpu.memory_space<hbm>>
      tpu.wait_dma2 semaphore(%arg24 : memref<!tpu.dma_semaphore, #tpu.memory_space<semaphore_mem>>) src(%dma_wait3A_417 : memref<32x128xf32, #tpu.memory_space<hbm>>) dst(%arg14 : memref<32x128xf32, #tpu.memory_space<vmem>>)
      %dma_wait3A_418 = arith.constant 0 : i32
      %dma_wait3A_419 = arith.constant 0 : i32
      %dma_wait3A_420 = tpu.memref_slice %arg2[%dma_wait3A_418, %dma_wait3A_419] : memref<32x1000000xf32, #tpu.memory_space<hbm>> -> memref<32x128xf32, #tpu.memory_space<hbm>>
      %dma_wait3A_421 = arith.constant 0 : i32
      %dma_wait3A_422 = arith.constant 0 : i32
      %dma_wait3A_423 = tpu.memref_slice %arg2[%dma_wait3A_421, %dma_wait3A_422] : memref<32x1000000xf32, #tpu.memory_space<hbm>> -> memref<32x128xf32, #tpu.memory_space<hbm>>
      tpu.wait_dma2 semaphore(%arg26 : memref<!tpu.dma_semaphore, #tpu.memory_space<semaphore_mem>>) src(%dma_wait3A_423 : memref<32x128xf32, #tpu.memory_space<hbm>>) dst(%arg16 : memref<32x128xf32, #tpu.memory_space<vmem>>)
      %slice3A_424 = vector.extract_strided_slice %get3A_42 {offsets = [6], sizes = [1], strides = [1]} : vector<16xi32> to vector<1xi32>
      %squeeze3A_425 = vector.extract %slice3A_424[0] : i32 from vector<1xi32>
      %and3A_426 = arith.constant 127 : i32
      %and3A_427 = arith.andi %squeeze3A_425, %and3A_426 : i32
      %broadcast_in_dim3A_428 = vector.broadcast %and3A_427 : i32 to vector<16xi32>
      %broadcast_in_dim3A_429 = vector.broadcast %add3A_411 : i32 to vector<16xi32>
      %gather3A_430 = tpu.vector_load_idx %arg14[%iota3A, %broadcast_in_dim3A_428] : memref<32x128xf32, #tpu.memory_space<vmem>>[vector<16xi32>, vector<16xi32>], vector<16xf32>,
      %gather3A_431 = tpu.vector_load_idx %arg14[%add3A_12, %broadcast_in_dim3A_428] : memref<32x128xf32, #tpu.memory_space<vmem>>[vector<16xi32>, vector<16xi32>], vector<16xf32>,
      tpu.vector_store_idx %arg18[%iota3A, %broadcast_in_dim3A_429], %gather3A_430 : memref<32x512xf32, #tpu.memory_space<vmem>>[vector<16xi32>, vector<16xi32>], vector<16xf32>,
      tpu.vector_store_idx %arg18[%add3A_12, %broadcast_in_dim3A_429], %gather3A_431 : memref<32x512xf32, #tpu.memory_space<vmem>>[vector<16xi32>, vector<16xi32>], vector<16xf32>,
      %slice3A_432 = vector.extract_strided_slice %get3A_46 {offsets = [6], sizes = [1], strides = [1]} : vector<16xi32> to vector<1xi32>
      %squeeze3A_433 = vector.extract %slice3A_432[0] : i32 from vector<1xi32>
      %and3A_434 = arith.constant 127 : i32
      %and3A_435 = arith.andi %squeeze3A_433, %and3A_434 : i32
      %broadcast_in_dim3A_436 = vector.broadcast %and3A_435 : i32 to vector<16xi32>
      %broadcast_in_dim3A_437 = vector.broadcast %add3A_411 : i32 to vector<16xi32>
      %gather3A_438 = tpu.vector_load_idx %arg16[%iota3A, %broadcast_in_dim3A_436] : memref<32x128xf32, #tpu.memory_space<vmem>>[vector<16xi32>, vector<16xi32>], vector<16xf32>,
      %gather3A_439 = tpu.vector_load_idx %arg16[%add3A_12, %broadcast_in_dim3A_436] : memref<32x128xf32, #tpu.memory_space<vmem>>[vector<16xi32>, vector<16xi32>], vector<16xf32>,
      tpu.vector_store_idx %arg19[%iota3A, %broadcast_in_dim3A_437], %gather3A_438 : memref<32x512xf32, #tpu.memory_space<vmem>>[vector<16xi32>, vector<16xi32>], vector<16xf32>,
      tpu.vector_store_idx %arg19[%add3A_12, %broadcast_in_dim3A_437], %gather3A_439 : memref<32x512xf32, #tpu.memory_space<vmem>>[vector<16xi32>, vector<16xi32>], vector<16xf32>,
      %slice3A_440 = vector.extract_strided_slice %get3A_42 {offsets = [8], sizes = [1], strides = [1]} : vector<16xi32> to vector<1xi32>
      %squeeze3A_441 = vector.extract %slice3A_440[0] : i32 from vector<1xi32>
      %slice3A_442 = vector.extract_strided_slice %get3A_46 {offsets = [8], sizes = [1], strides = [1]} : vector<16xi32> to vector<1xi32>
      %squeeze3A_443 = vector.extract %slice3A_442[0] : i32 from vector<1xi32>
      %shift_right_arithmetic3A_444 = arith.constant 7 : i32
      %shift_right_arithmetic3A_445 = arith.shrsi %squeeze3A_441, %shift_right_arithmetic3A_444 : i32
      %shift_left3A_446 = arith.constant 7 : i32
      %shift_left3A_447 = arith.shli %shift_right_arithmetic3A_445, %shift_left3A_446 : i32
      %multiple_of3A_448 = tpu.assume_multiple %shift_left3A_447, 128 : i32
      %shift_right_arithmetic3A_449 = arith.constant 7 : i32
      %shift_right_arithmetic3A_450 = arith.shrsi %squeeze3A_443, %shift_right_arithmetic3A_449 : i32
      %shift_left3A_451 = arith.constant 7 : i32
      %shift_left3A_452 = arith.shli %shift_right_arithmetic3A_450, %shift_left3A_451 : i32
      %multiple_of3A_453 = tpu.assume_multiple %shift_left3A_452, 128 : i32
      %dma_start3A_454 = arith.constant 0 : i32
      %dma_start3A_455 = tpu.memref_slice %arg2[%dma_start3A_454, %multiple_of3A_448] : memref<32x1000000xf32, #tpu.memory_space<hbm>> -> memref<32x128xf32, #tpu.memory_space<hbm>>
      %dma_start3A_456 = arith.constant 0 : i32
      %dma_start3A_457 = tpu.memref_slice %arg2[%dma_start3A_456, %multiple_of3A_448] : memref<32x1000000xf32, #tpu.memory_space<hbm>> -> memref<32x128xf32, #tpu.memory_space<hbm>>
      tpu.enqueue_dma source(%dma_start3A_457 : memref<32x128xf32, #tpu.memory_space<hbm>>) target(%arg14 : memref<32x128xf32, #tpu.memory_space<vmem>>) target_semaphore(%arg24 : memref<!tpu.dma_semaphore, #tpu.memory_space<semaphore_mem>>)
      %dma_start3A_458 = arith.constant 0 : i32
      %dma_start3A_459 = tpu.memref_slice %arg3[%dma_start3A_458, %multiple_of3A_453] : memref<32x1000000xf32, #tpu.memory_space<hbm>> -> memref<32x128xf32, #tpu.memory_space<hbm>>
      %dma_start3A_460 = arith.constant 0 : i32
      %dma_start3A_461 = tpu.memref_slice %arg3[%dma_start3A_460, %multiple_of3A_453] : memref<32x1000000xf32, #tpu.memory_space<hbm>> -> memref<32x128xf32, #tpu.memory_space<hbm>>
      tpu.enqueue_dma source(%dma_start3A_461 : memref<32x128xf32, #tpu.memory_space<hbm>>) target(%arg16 : memref<32x128xf32, #tpu.memory_space<vmem>>) target_semaphore(%arg26 : memref<!tpu.dma_semaphore, #tpu.memory_space<semaphore_mem>>)
      %mul3A_462 = arith.constant 16 : i32
      %mul3A_463 = arith.muli %add3A_39, %mul3A_462 : i32
      %add3A_464 = arith.constant 7 : i32
      %add3A_465 = arith.addi %mul3A_463, %add3A_464 : i32
      %dma_wait3A_466 = arith.constant 0 : i32
      %dma_wait3A_467 = arith.constant 0 : i32
      %dma_wait3A_468 = tpu.memref_slice %arg2[%dma_wait3A_466, %dma_wait3A_467] : memref<32x1000000xf32, #tpu.memory_space<hbm>> -> memref<32x128xf32, #tpu.memory_space<hbm>>
      %dma_wait3A_469 = arith.constant 0 : i32
      %dma_wait3A_470 = arith.constant 0 : i32
      %dma_wait3A_471 = tpu.memref_slice %arg2[%dma_wait3A_469, %dma_wait3A_470] : memref<32x1000000xf32, #tpu.memory_space<hbm>> -> memref<32x128xf32, #tpu.memory_space<hbm>>
      tpu.wait_dma2 semaphore(%arg25 : memref<!tpu.dma_semaphore, #tpu.memory_space<semaphore_mem>>) src(%dma_wait3A_471 : memref<32x128xf32, #tpu.memory_space<hbm>>) dst(%arg15 : memref<32x128xf32, #tpu.memory_space<vmem>>)
      %dma_wait3A_472 = arith.constant 0 : i32
      %dma_wait3A_473 = arith.constant 0 : i32
      %dma_wait3A_474 = tpu.memref_slice %arg2[%dma_wait3A_472, %dma_wait3A_473] : memref<32x1000000xf32, #tpu.memory_space<hbm>> -> memref<32x128xf32, #tpu.memory_space<hbm>>
      %dma_wait3A_475 = arith.constant 0 : i32
      %dma_wait3A_476 = arith.constant 0 : i32
      %dma_wait3A_477 = tpu.memref_slice %arg2[%dma_wait3A_475, %dma_wait3A_476] : memref<32x1000000xf32, #tpu.memory_space<hbm>> -> memref<32x128xf32, #tpu.memory_space<hbm>>
      tpu.wait_dma2 semaphore(%arg27 : memref<!tpu.dma_semaphore, #tpu.memory_space<semaphore_mem>>) src(%dma_wait3A_477 : memref<32x128xf32, #tpu.memory_space<hbm>>) dst(%arg17 : memref<32x128xf32, #tpu.memory_space<vmem>>)
      %slice3A_478 = vector.extract_strided_slice %get3A_42 {offsets = [7], sizes = [1], strides = [1]} : vector<16xi32> to vector<1xi32>
      %squeeze3A_479 = vector.extract %slice3A_478[0] : i32 from vector<1xi32>
      %and3A_480 = arith.constant 127 : i32
      %and3A_481 = arith.andi %squeeze3A_479, %and3A_480 : i32
      %broadcast_in_dim3A_482 = vector.broadcast %and3A_481 : i32 to vector<16xi32>
      %broadcast_in_dim3A_483 = vector.broadcast %add3A_465 : i32 to vector<16xi32>
      %gather3A_484 = tpu.vector_load_idx %arg15[%iota3A, %broadcast_in_dim3A_482] : memref<32x128xf32, #tpu.memory_space<vmem>>[vector<16xi32>, vector<16xi32>], vector<16xf32>,
      %gather3A_485 = tpu.vector_load_idx %arg15[%add3A_12, %broadcast_in_dim3A_482] : memref<32x128xf32, #tpu.memory_space<vmem>>[vector<16xi32>, vector<16xi32>], vector<16xf32>,
      tpu.vector_store_idx %arg18[%iota3A, %broadcast_in_dim3A_483], %gather3A_484 : memref<32x512xf32, #tpu.memory_space<vmem>>[vector<16xi32>, vector<16xi32>], vector<16xf32>,
      tpu.vector_store_idx %arg18[%add3A_12, %broadcast_in_dim3A_483], %gather3A_485 : memref<32x512xf32, #tpu.memory_space<vmem>>[vector<16xi32>, vector<16xi32>], vector<16xf32>,
      %slice3A_486 = vector.extract_strided_slice %get3A_46 {offsets = [7], sizes = [1], strides = [1]} : vector<16xi32> to vector<1xi32>
      %squeeze3A_487 = vector.extract %slice3A_486[0] : i32 from vector<1xi32>
      %and3A_488 = arith.constant 127 : i32
      %and3A_489 = arith.andi %squeeze3A_487, %and3A_488 : i32
      %broadcast_in_dim3A_490 = vector.broadcast %and3A_489 : i32 to vector<16xi32>
      %broadcast_in_dim3A_491 = vector.broadcast %add3A_465 : i32 to vector<16xi32>
      %gather3A_492 = tpu.vector_load_idx %arg17[%iota3A, %broadcast_in_dim3A_490] : memref<32x128xf32, #tpu.memory_space<vmem>>[vector<16xi32>, vector<16xi32>], vector<16xf32>,
      %gather3A_493 = tpu.vector_load_idx %arg17[%add3A_12, %broadcast_in_dim3A_490] : memref<32x128xf32, #tpu.memory_space<vmem>>[vector<16xi32>, vector<16xi32>], vector<16xf32>,
      tpu.vector_store_idx %arg19[%iota3A, %broadcast_in_dim3A_491], %gather3A_492 : memref<32x512xf32, #tpu.memory_space<vmem>>[vector<16xi32>, vector<16xi32>], vector<16xf32>,
      tpu.vector_store_idx %arg19[%add3A_12, %broadcast_in_dim3A_491], %gather3A_493 : memref<32x512xf32, #tpu.memory_space<vmem>>[vector<16xi32>, vector<16xi32>], vector<16xf32>,
      %slice3A_494 = vector.extract_strided_slice %get3A_42 {offsets = [9], sizes = [1], strides = [1]} : vector<16xi32> to vector<1xi32>
      %squeeze3A_495 = vector.extract %slice3A_494[0] : i32 from vector<1xi32>
      %slice3A_496 = vector.extract_strided_slice %get3A_46 {offsets = [9], sizes = [1], strides = [1]} : vector<16xi32> to vector<1xi32>
      %squeeze3A_497 = vector.extract %slice3A_496[0] : i32 from vector<1xi32>
      %shift_right_arithmetic3A_498 = arith.constant 7 : i32
      %shift_right_arithmetic3A_499 = arith.shrsi %squeeze3A_495, %shift_right_arithmetic3A_498 : i32
      %shift_left3A_500 = arith.constant 7 : i32
      %shift_left3A_501 = arith.shli %shift_right_arithmetic3A_499, %shift_left3A_500 : i32
      %multiple_of3A_502 = tpu.assume_multiple %shift_left3A_501, 128 : i32
      %shift_right_arithmetic3A_503 = arith.constant 7 : i32
      %shift_right_arithmetic3A_504 = arith.shrsi %squeeze3A_497, %shift_right_arithmetic3A_503 : i32
      %shift_left3A_505 = arith.constant 7 : i32
      %shift_left3A_506 = arith.shli %shift_right_arithmetic3A_504, %shift_left3A_505 : i32
      %multiple_of3A_507 = tpu.assume_multiple %shift_left3A_506, 128 : i32
      %dma_start3A_508 = arith.constant 0 : i32
      %dma_start3A_509 = tpu.memref_slice %arg2[%dma_start3A_508, %multiple_of3A_502] : memref<32x1000000xf32, #tpu.memory_space<hbm>> -> memref<32x128xf32, #tpu.memory_space<hbm>>
      %dma_start3A_510 = arith.constant 0 : i32
      %dma_start3A_511 = tpu.memref_slice %arg2[%dma_start3A_510, %multiple_of3A_502] : memref<32x1000000xf32, #tpu.memory_space<hbm>> -> memref<32x128xf32, #tpu.memory_space<hbm>>
      tpu.enqueue_dma source(%dma_start3A_511 : memref<32x128xf32, #tpu.memory_space<hbm>>) target(%arg15 : memref<32x128xf32, #tpu.memory_space<vmem>>) target_semaphore(%arg25 : memref<!tpu.dma_semaphore, #tpu.memory_space<semaphore_mem>>)
      %dma_start3A_512 = arith.constant 0 : i32
      %dma_start3A_513 = tpu.memref_slice %arg3[%dma_start3A_512, %multiple_of3A_507] : memref<32x1000000xf32, #tpu.memory_space<hbm>> -> memref<32x128xf32, #tpu.memory_space<hbm>>
      %dma_start3A_514 = arith.constant 0 : i32
      %dma_start3A_515 = tpu.memref_slice %arg3[%dma_start3A_514, %multiple_of3A_507] : memref<32x1000000xf32, #tpu.memory_space<hbm>> -> memref<32x128xf32, #tpu.memory_space<hbm>>
      tpu.enqueue_dma source(%dma_start3A_515 : memref<32x128xf32, #tpu.memory_space<hbm>>) target(%arg17 : memref<32x128xf32, #tpu.memory_space<vmem>>) target_semaphore(%arg27 : memref<!tpu.dma_semaphore, #tpu.memory_space<semaphore_mem>>)
      %mul3A_516 = arith.constant 16 : i32
      %mul3A_517 = arith.muli %add3A_39, %mul3A_516 : i32
      %add3A_518 = arith.constant 8 : i32
      %add3A_519 = arith.addi %mul3A_517, %add3A_518 : i32
      %dma_wait3A_520 = arith.constant 0 : i32
      %dma_wait3A_521 = arith.constant 0 : i32
      %dma_wait3A_522 = tpu.memref_slice %arg2[%dma_wait3A_520, %dma_wait3A_521] : memref<32x1000000xf32, #tpu.memory_space<hbm>> -> memref<32x128xf32, #tpu.memory_space<hbm>>
      %dma_wait3A_523 = arith.constant 0 : i32
      %dma_wait3A_524 = arith.constant 0 : i32
      %dma_wait3A_525 = tpu.memref_slice %arg2[%dma_wait3A_523, %dma_wait3A_524] : memref<32x1000000xf32, #tpu.memory_space<hbm>> -> memref<32x128xf32, #tpu.memory_space<hbm>>
      tpu.wait_dma2 semaphore(%arg24 : memref<!tpu.dma_semaphore, #tpu.memory_space<semaphore_mem>>) src(%dma_wait3A_525 : memref<32x128xf32, #tpu.memory_space<hbm>>) dst(%arg14 : memref<32x128xf32, #tpu.memory_space<vmem>>)
      %dma_wait3A_526 = arith.constant 0 : i32
      %dma_wait3A_527 = arith.constant 0 : i32
      %dma_wait3A_528 = tpu.memref_slice %arg2[%dma_wait3A_526, %dma_wait3A_527] : memref<32x1000000xf32, #tpu.memory_space<hbm>> -> memref<32x128xf32, #tpu.memory_space<hbm>>
      %dma_wait3A_529 = arith.constant 0 : i32
      %dma_wait3A_530 = arith.constant 0 : i32
      %dma_wait3A_531 = tpu.memref_slice %arg2[%dma_wait3A_529, %dma_wait3A_530] : memref<32x1000000xf32, #tpu.memory_space<hbm>> -> memref<32x128xf32, #tpu.memory_space<hbm>>
      tpu.wait_dma2 semaphore(%arg26 : memref<!tpu.dma_semaphore, #tpu.memory_space<semaphore_mem>>) src(%dma_wait3A_531 : memref<32x128xf32, #tpu.memory_space<hbm>>) dst(%arg16 : memref<32x128xf32, #tpu.memory_space<vmem>>)
      %slice3A_532 = vector.extract_strided_slice %get3A_42 {offsets = [8], sizes = [1], strides = [1]} : vector<16xi32> to vector<1xi32>
      %squeeze3A_533 = vector.extract %slice3A_532[0] : i32 from vector<1xi32>
      %and3A_534 = arith.constant 127 : i32
      %and3A_535 = arith.andi %squeeze3A_533, %and3A_534 : i32
      %broadcast_in_dim3A_536 = vector.broadcast %and3A_535 : i32 to vector<16xi32>
      %broadcast_in_dim3A_537 = vector.broadcast %add3A_519 : i32 to vector<16xi32>
      %gather3A_538 = tpu.vector_load_idx %arg14[%iota3A, %broadcast_in_dim3A_536] : memref<32x128xf32, #tpu.memory_space<vmem>>[vector<16xi32>, vector<16xi32>], vector<16xf32>,
      %gather3A_539 = tpu.vector_load_idx %arg14[%add3A_12, %broadcast_in_dim3A_536] : memref<32x128xf32, #tpu.memory_space<vmem>>[vector<16xi32>, vector<16xi32>], vector<16xf32>,
      tpu.vector_store_idx %arg18[%iota3A, %broadcast_in_dim3A_537], %gather3A_538 : memref<32x512xf32, #tpu.memory_space<vmem>>[vector<16xi32>, vector<16xi32>], vector<16xf32>,
      tpu.vector_store_idx %arg18[%add3A_12, %broadcast_in_dim3A_537], %gather3A_539 : memref<32x512xf32, #tpu.memory_space<vmem>>[vector<16xi32>, vector<16xi32>], vector<16xf32>,
      %slice3A_540 = vector.extract_strided_slice %get3A_46 {offsets = [8], sizes = [1], strides = [1]} : vector<16xi32> to vector<1xi32>
      %squeeze3A_541 = vector.extract %slice3A_540[0] : i32 from vector<1xi32>
      %and3A_542 = arith.constant 127 : i32
      %and3A_543 = arith.andi %squeeze3A_541, %and3A_542 : i32
      %broadcast_in_dim3A_544 = vector.broadcast %and3A_543 : i32 to vector<16xi32>
      %broadcast_in_dim3A_545 = vector.broadcast %add3A_519 : i32 to vector<16xi32>
      %gather3A_546 = tpu.vector_load_idx %arg16[%iota3A, %broadcast_in_dim3A_544] : memref<32x128xf32, #tpu.memory_space<vmem>>[vector<16xi32>, vector<16xi32>], vector<16xf32>,
      %gather3A_547 = tpu.vector_load_idx %arg16[%add3A_12, %broadcast_in_dim3A_544] : memref<32x128xf32, #tpu.memory_space<vmem>>[vector<16xi32>, vector<16xi32>], vector<16xf32>,
      tpu.vector_store_idx %arg19[%iota3A, %broadcast_in_dim3A_545], %gather3A_546 : memref<32x512xf32, #tpu.memory_space<vmem>>[vector<16xi32>, vector<16xi32>], vector<16xf32>,
      tpu.vector_store_idx %arg19[%add3A_12, %broadcast_in_dim3A_545], %gather3A_547 : memref<32x512xf32, #tpu.memory_space<vmem>>[vector<16xi32>, vector<16xi32>], vector<16xf32>,
      %slice3A_548 = vector.extract_strided_slice %get3A_42 {offsets = [10], sizes = [1], strides = [1]} : vector<16xi32> to vector<1xi32>
      %squeeze3A_549 = vector.extract %slice3A_548[0] : i32 from vector<1xi32>
      %slice3A_550 = vector.extract_strided_slice %get3A_46 {offsets = [10], sizes = [1], strides = [1]} : vector<16xi32> to vector<1xi32>
      %squeeze3A_551 = vector.extract %slice3A_550[0] : i32 from vector<1xi32>
      %shift_right_arithmetic3A_552 = arith.constant 7 : i32
      %shift_right_arithmetic3A_553 = arith.shrsi %squeeze3A_549, %shift_right_arithmetic3A_552 : i32
      %shift_left3A_554 = arith.constant 7 : i32
      %shift_left3A_555 = arith.shli %shift_right_arithmetic3A_553, %shift_left3A_554 : i32
      %multiple_of3A_556 = tpu.assume_multiple %shift_left3A_555, 128 : i32
      %shift_right_arithmetic3A_557 = arith.constant 7 : i32
      %shift_right_arithmetic3A_558 = arith.shrsi %squeeze3A_551, %shift_right_arithmetic3A_557 : i32
      %shift_left3A_559 = arith.constant 7 : i32
      %shift_left3A_560 = arith.shli %shift_right_arithmetic3A_558, %shift_left3A_559 : i32
      %multiple_of3A_561 = tpu.assume_multiple %shift_left3A_560, 128 : i32
      %dma_start3A_562 = arith.constant 0 : i32
      %dma_start3A_563 = tpu.memref_slice %arg2[%dma_start3A_562, %multiple_of3A_556] : memref<32x1000000xf32, #tpu.memory_space<hbm>> -> memref<32x128xf32, #tpu.memory_space<hbm>>
      %dma_start3A_564 = arith.constant 0 : i32
      %dma_start3A_565 = tpu.memref_slice %arg2[%dma_start3A_564, %multiple_of3A_556] : memref<32x1000000xf32, #tpu.memory_space<hbm>> -> memref<32x128xf32, #tpu.memory_space<hbm>>
      tpu.enqueue_dma source(%dma_start3A_565 : memref<32x128xf32, #tpu.memory_space<hbm>>) target(%arg14 : memref<32x128xf32, #tpu.memory_space<vmem>>) target_semaphore(%arg24 : memref<!tpu.dma_semaphore, #tpu.memory_space<semaphore_mem>>)
      %dma_start3A_566 = arith.constant 0 : i32
      %dma_start3A_567 = tpu.memref_slice %arg3[%dma_start3A_566, %multiple_of3A_561] : memref<32x1000000xf32, #tpu.memory_space<hbm>> -> memref<32x128xf32, #tpu.memory_space<hbm>>
      %dma_start3A_568 = arith.constant 0 : i32
      %dma_start3A_569 = tpu.memref_slice %arg3[%dma_start3A_568, %multiple_of3A_561] : memref<32x1000000xf32, #tpu.memory_space<hbm>> -> memref<32x128xf32, #tpu.memory_space<hbm>>
      tpu.enqueue_dma source(%dma_start3A_569 : memref<32x128xf32, #tpu.memory_space<hbm>>) target(%arg16 : memref<32x128xf32, #tpu.memory_space<vmem>>) target_semaphore(%arg26 : memref<!tpu.dma_semaphore, #tpu.memory_space<semaphore_mem>>)
      %mul3A_570 = arith.constant 16 : i32
      %mul3A_571 = arith.muli %add3A_39, %mul3A_570 : i32
      %add3A_572 = arith.constant 9 : i32
      %add3A_573 = arith.addi %mul3A_571, %add3A_572 : i32
      %dma_wait3A_574 = arith.constant 0 : i32
      %dma_wait3A_575 = arith.constant 0 : i32
      %dma_wait3A_576 = tpu.memref_slice %arg2[%dma_wait3A_574, %dma_wait3A_575] : memref<32x1000000xf32, #tpu.memory_space<hbm>> -> memref<32x128xf32, #tpu.memory_space<hbm>>
      %dma_wait3A_577 = arith.constant 0 : i32
      %dma_wait3A_578 = arith.constant 0 : i32
      %dma_wait3A_579 = tpu.memref_slice %arg2[%dma_wait3A_577, %dma_wait3A_578] : memref<32x1000000xf32, #tpu.memory_space<hbm>> -> memref<32x128xf32, #tpu.memory_space<hbm>>
      tpu.wait_dma2 semaphore(%arg25 : memref<!tpu.dma_semaphore, #tpu.memory_space<semaphore_mem>>) src(%dma_wait3A_579 : memref<32x128xf32, #tpu.memory_space<hbm>>) dst(%arg15 : memref<32x128xf32, #tpu.memory_space<vmem>>)
      %dma_wait3A_580 = arith.constant 0 : i32
      %dma_wait3A_581 = arith.constant 0 : i32
      %dma_wait3A_582 = tpu.memref_slice %arg2[%dma_wait3A_580, %dma_wait3A_581] : memref<32x1000000xf32, #tpu.memory_space<hbm>> -> memref<32x128xf32, #tpu.memory_space<hbm>>
      %dma_wait3A_583 = arith.constant 0 : i32
      %dma_wait3A_584 = arith.constant 0 : i32
      %dma_wait3A_585 = tpu.memref_slice %arg2[%dma_wait3A_583, %dma_wait3A_584] : memref<32x1000000xf32, #tpu.memory_space<hbm>> -> memref<32x128xf32, #tpu.memory_space<hbm>>
      tpu.wait_dma2 semaphore(%arg27 : memref<!tpu.dma_semaphore, #tpu.memory_space<semaphore_mem>>) src(%dma_wait3A_585 : memref<32x128xf32, #tpu.memory_space<hbm>>) dst(%arg17 : memref<32x128xf32, #tpu.memory_space<vmem>>)
      %slice3A_586 = vector.extract_strided_slice %get3A_42 {offsets = [9], sizes = [1], strides = [1]} : vector<16xi32> to vector<1xi32>
      %squeeze3A_587 = vector.extract %slice3A_586[0] : i32 from vector<1xi32>
      %and3A_588 = arith.constant 127 : i32
      %and3A_589 = arith.andi %squeeze3A_587, %and3A_588 : i32
      %broadcast_in_dim3A_590 = vector.broadcast %and3A_589 : i32 to vector<16xi32>
      %broadcast_in_dim3A_591 = vector.broadcast %add3A_573 : i32 to vector<16xi32>
      %gather3A_592 = tpu.vector_load_idx %arg15[%iota3A, %broadcast_in_dim3A_590] : memref<32x128xf32, #tpu.memory_space<vmem>>[vector<16xi32>, vector<16xi32>], vector<16xf32>,
      %gather3A_593 = tpu.vector_load_idx %arg15[%add3A_12, %broadcast_in_dim3A_590] : memref<32x128xf32, #tpu.memory_space<vmem>>[vector<16xi32>, vector<16xi32>], vector<16xf32>,
      tpu.vector_store_idx %arg18[%iota3A, %broadcast_in_dim3A_591], %gather3A_592 : memref<32x512xf32, #tpu.memory_space<vmem>>[vector<16xi32>, vector<16xi32>], vector<16xf32>,
      tpu.vector_store_idx %arg18[%add3A_12, %broadcast_in_dim3A_591], %gather3A_593 : memref<32x512xf32, #tpu.memory_space<vmem>>[vector<16xi32>, vector<16xi32>], vector<16xf32>,
      %slice3A_594 = vector.extract_strided_slice %get3A_46 {offsets = [9], sizes = [1], strides = [1]} : vector<16xi32> to vector<1xi32>
      %squeeze3A_595 = vector.extract %slice3A_594[0] : i32 from vector<1xi32>
      %and3A_596 = arith.constant 127 : i32
      %and3A_597 = arith.andi %squeeze3A_595, %and3A_596 : i32
      %broadcast_in_dim3A_598 = vector.broadcast %and3A_597 : i32 to vector<16xi32>
      %broadcast_in_dim3A_599 = vector.broadcast %add3A_573 : i32 to vector<16xi32>
      %gather3A_600 = tpu.vector_load_idx %arg17[%iota3A, %broadcast_in_dim3A_598] : memref<32x128xf32, #tpu.memory_space<vmem>>[vector<16xi32>, vector<16xi32>], vector<16xf32>,
      %gather3A_601 = tpu.vector_load_idx %arg17[%add3A_12, %broadcast_in_dim3A_598] : memref<32x128xf32, #tpu.memory_space<vmem>>[vector<16xi32>, vector<16xi32>], vector<16xf32>,
      tpu.vector_store_idx %arg19[%iota3A, %broadcast_in_dim3A_599], %gather3A_600 : memref<32x512xf32, #tpu.memory_space<vmem>>[vector<16xi32>, vector<16xi32>], vector<16xf32>,
      tpu.vector_store_idx %arg19[%add3A_12, %broadcast_in_dim3A_599], %gather3A_601 : memref<32x512xf32, #tpu.memory_space<vmem>>[vector<16xi32>, vector<16xi32>], vector<16xf32>,
      %slice3A_602 = vector.extract_strided_slice %get3A_42 {offsets = [11], sizes = [1], strides = [1]} : vector<16xi32> to vector<1xi32>
      %squeeze3A_603 = vector.extract %slice3A_602[0] : i32 from vector<1xi32>
      %slice3A_604 = vector.extract_strided_slice %get3A_46 {offsets = [11], sizes = [1], strides = [1]} : vector<16xi32> to vector<1xi32>
      %squeeze3A_605 = vector.extract %slice3A_604[0] : i32 from vector<1xi32>
      %shift_right_arithmetic3A_606 = arith.constant 7 : i32
      %shift_right_arithmetic3A_607 = arith.shrsi %squeeze3A_603, %shift_right_arithmetic3A_606 : i32
      %shift_left3A_608 = arith.constant 7 : i32
      %shift_left3A_609 = arith.shli %shift_right_arithmetic3A_607, %shift_left3A_608 : i32
      %multiple_of3A_610 = tpu.assume_multiple %shift_left3A_609, 128 : i32
      %shift_right_arithmetic3A_611 = arith.constant 7 : i32
      %shift_right_arithmetic3A_612 = arith.shrsi %squeeze3A_605, %shift_right_arithmetic3A_611 : i32
      %shift_left3A_613 = arith.constant 7 : i32
      %shift_left3A_614 = arith.shli %shift_right_arithmetic3A_612, %shift_left3A_613 : i32
      %multiple_of3A_615 = tpu.assume_multiple %shift_left3A_614, 128 : i32
      %dma_start3A_616 = arith.constant 0 : i32
      %dma_start3A_617 = tpu.memref_slice %arg2[%dma_start3A_616, %multiple_of3A_610] : memref<32x1000000xf32, #tpu.memory_space<hbm>> -> memref<32x128xf32, #tpu.memory_space<hbm>>
      %dma_start3A_618 = arith.constant 0 : i32
      %dma_start3A_619 = tpu.memref_slice %arg2[%dma_start3A_618, %multiple_of3A_610] : memref<32x1000000xf32, #tpu.memory_space<hbm>> -> memref<32x128xf32, #tpu.memory_space<hbm>>
      tpu.enqueue_dma source(%dma_start3A_619 : memref<32x128xf32, #tpu.memory_space<hbm>>) target(%arg15 : memref<32x128xf32, #tpu.memory_space<vmem>>) target_semaphore(%arg25 : memref<!tpu.dma_semaphore, #tpu.memory_space<semaphore_mem>>)
      %dma_start3A_620 = arith.constant 0 : i32
      %dma_start3A_621 = tpu.memref_slice %arg3[%dma_start3A_620, %multiple_of3A_615] : memref<32x1000000xf32, #tpu.memory_space<hbm>> -> memref<32x128xf32, #tpu.memory_space<hbm>>
      %dma_start3A_622 = arith.constant 0 : i32
      %dma_start3A_623 = tpu.memref_slice %arg3[%dma_start3A_622, %multiple_of3A_615] : memref<32x1000000xf32, #tpu.memory_space<hbm>> -> memref<32x128xf32, #tpu.memory_space<hbm>>
      tpu.enqueue_dma source(%dma_start3A_623 : memref<32x128xf32, #tpu.memory_space<hbm>>) target(%arg17 : memref<32x128xf32, #tpu.memory_space<vmem>>) target_semaphore(%arg27 : memref<!tpu.dma_semaphore, #tpu.memory_space<semaphore_mem>>)
      %mul3A_624 = arith.constant 16 : i32
      %mul3A_625 = arith.muli %add3A_39, %mul3A_624 : i32
      %add3A_626 = arith.constant 10 : i32
      %add3A_627 = arith.addi %mul3A_625, %add3A_626 : i32
      %dma_wait3A_628 = arith.constant 0 : i32
      %dma_wait3A_629 = arith.constant 0 : i32
      %dma_wait3A_630 = tpu.memref_slice %arg2[%dma_wait3A_628, %dma_wait3A_629] : memref<32x1000000xf32, #tpu.memory_space<hbm>> -> memref<32x128xf32, #tpu.memory_space<hbm>>
      %dma_wait3A_631 = arith.constant 0 : i32
      %dma_wait3A_632 = arith.constant 0 : i32
      %dma_wait3A_633 = tpu.memref_slice %arg2[%dma_wait3A_631, %dma_wait3A_632] : memref<32x1000000xf32, #tpu.memory_space<hbm>> -> memref<32x128xf32, #tpu.memory_space<hbm>>
      tpu.wait_dma2 semaphore(%arg24 : memref<!tpu.dma_semaphore, #tpu.memory_space<semaphore_mem>>) src(%dma_wait3A_633 : memref<32x128xf32, #tpu.memory_space<hbm>>) dst(%arg14 : memref<32x128xf32, #tpu.memory_space<vmem>>)
      %dma_wait3A_634 = arith.constant 0 : i32
      %dma_wait3A_635 = arith.constant 0 : i32
      %dma_wait3A_636 = tpu.memref_slice %arg2[%dma_wait3A_634, %dma_wait3A_635] : memref<32x1000000xf32, #tpu.memory_space<hbm>> -> memref<32x128xf32, #tpu.memory_space<hbm>>
      %dma_wait3A_637 = arith.constant 0 : i32
      %dma_wait3A_638 = arith.constant 0 : i32
      %dma_wait3A_639 = tpu.memref_slice %arg2[%dma_wait3A_637, %dma_wait3A_638] : memref<32x1000000xf32, #tpu.memory_space<hbm>> -> memref<32x128xf32, #tpu.memory_space<hbm>>
      tpu.wait_dma2 semaphore(%arg26 : memref<!tpu.dma_semaphore, #tpu.memory_space<semaphore_mem>>) src(%dma_wait3A_639 : memref<32x128xf32, #tpu.memory_space<hbm>>) dst(%arg16 : memref<32x128xf32, #tpu.memory_space<vmem>>)
      %slice3A_640 = vector.extract_strided_slice %get3A_42 {offsets = [10], sizes = [1], strides = [1]} : vector<16xi32> to vector<1xi32>
      %squeeze3A_641 = vector.extract %slice3A_640[0] : i32 from vector<1xi32>
      %and3A_642 = arith.constant 127 : i32
      %and3A_643 = arith.andi %squeeze3A_641, %and3A_642 : i32
      %broadcast_in_dim3A_644 = vector.broadcast %and3A_643 : i32 to vector<16xi32>
      %broadcast_in_dim3A_645 = vector.broadcast %add3A_627 : i32 to vector<16xi32>
      %gather3A_646 = tpu.vector_load_idx %arg14[%iota3A, %broadcast_in_dim3A_644] : memref<32x128xf32, #tpu.memory_space<vmem>>[vector<16xi32>, vector<16xi32>], vector<16xf32>,
      %gather3A_647 = tpu.vector_load_idx %arg14[%add3A_12, %broadcast_in_dim3A_644] : memref<32x128xf32, #tpu.memory_space<vmem>>[vector<16xi32>, vector<16xi32>], vector<16xf32>,
      tpu.vector_store_idx %arg18[%iota3A, %broadcast_in_dim3A_645], %gather3A_646 : memref<32x512xf32, #tpu.memory_space<vmem>>[vector<16xi32>, vector<16xi32>], vector<16xf32>,
      tpu.vector_store_idx %arg18[%add3A_12, %broadcast_in_dim3A_645], %gather3A_647 : memref<32x512xf32, #tpu.memory_space<vmem>>[vector<16xi32>, vector<16xi32>], vector<16xf32>,
      %slice3A_648 = vector.extract_strided_slice %get3A_46 {offsets = [10], sizes = [1], strides = [1]} : vector<16xi32> to vector<1xi32>
      %squeeze3A_649 = vector.extract %slice3A_648[0] : i32 from vector<1xi32>
      %and3A_650 = arith.constant 127 : i32
      %and3A_651 = arith.andi %squeeze3A_649, %and3A_650 : i32
      %broadcast_in_dim3A_652 = vector.broadcast %and3A_651 : i32 to vector<16xi32>
      %broadcast_in_dim3A_653 = vector.broadcast %add3A_627 : i32 to vector<16xi32>
      %gather3A_654 = tpu.vector_load_idx %arg16[%iota3A, %broadcast_in_dim3A_652] : memref<32x128xf32, #tpu.memory_space<vmem>>[vector<16xi32>, vector<16xi32>], vector<16xf32>,
      %gather3A_655 = tpu.vector_load_idx %arg16[%add3A_12, %broadcast_in_dim3A_652] : memref<32x128xf32, #tpu.memory_space<vmem>>[vector<16xi32>, vector<16xi32>], vector<16xf32>,
      tpu.vector_store_idx %arg19[%iota3A, %broadcast_in_dim3A_653], %gather3A_654 : memref<32x512xf32, #tpu.memory_space<vmem>>[vector<16xi32>, vector<16xi32>], vector<16xf32>,
      tpu.vector_store_idx %arg19[%add3A_12, %broadcast_in_dim3A_653], %gather3A_655 : memref<32x512xf32, #tpu.memory_space<vmem>>[vector<16xi32>, vector<16xi32>], vector<16xf32>,
      %slice3A_656 = vector.extract_strided_slice %get3A_42 {offsets = [12], sizes = [1], strides = [1]} : vector<16xi32> to vector<1xi32>
      %squeeze3A_657 = vector.extract %slice3A_656[0] : i32 from vector<1xi32>
      %slice3A_658 = vector.extract_strided_slice %get3A_46 {offsets = [12], sizes = [1], strides = [1]} : vector<16xi32> to vector<1xi32>
      %squeeze3A_659 = vector.extract %slice3A_658[0] : i32 from vector<1xi32>
      %shift_right_arithmetic3A_660 = arith.constant 7 : i32
      %shift_right_arithmetic3A_661 = arith.shrsi %squeeze3A_657, %shift_right_arithmetic3A_660 : i32
      %shift_left3A_662 = arith.constant 7 : i32
      %shift_left3A_663 = arith.shli %shift_right_arithmetic3A_661, %shift_left3A_662 : i32
      %multiple_of3A_664 = tpu.assume_multiple %shift_left3A_663, 128 : i32
      %shift_right_arithmetic3A_665 = arith.constant 7 : i32
      %shift_right_arithmetic3A_666 = arith.shrsi %squeeze3A_659, %shift_right_arithmetic3A_665 : i32
      %shift_left3A_667 = arith.constant 7 : i32
      %shift_left3A_668 = arith.shli %shift_right_arithmetic3A_666, %shift_left3A_667 : i32
      %multiple_of3A_669 = tpu.assume_multiple %shift_left3A_668, 128 : i32
      %dma_start3A_670 = arith.constant 0 : i32
      %dma_start3A_671 = tpu.memref_slice %arg2[%dma_start3A_670, %multiple_of3A_664] : memref<32x1000000xf32, #tpu.memory_space<hbm>> -> memref<32x128xf32, #tpu.memory_space<hbm>>
      %dma_start3A_672 = arith.constant 0 : i32
      %dma_start3A_673 = tpu.memref_slice %arg2[%dma_start3A_672, %multiple_of3A_664] : memref<32x1000000xf32, #tpu.memory_space<hbm>> -> memref<32x128xf32, #tpu.memory_space<hbm>>
      tpu.enqueue_dma source(%dma_start3A_673 : memref<32x128xf32, #tpu.memory_space<hbm>>) target(%arg14 : memref<32x128xf32, #tpu.memory_space<vmem>>) target_semaphore(%arg24 : memref<!tpu.dma_semaphore, #tpu.memory_space<semaphore_mem>>)
      %dma_start3A_674 = arith.constant 0 : i32
      %dma_start3A_675 = tpu.memref_slice %arg3[%dma_start3A_674, %multiple_of3A_669] : memref<32x1000000xf32, #tpu.memory_space<hbm>> -> memref<32x128xf32, #tpu.memory_space<hbm>>
      %dma_start3A_676 = arith.constant 0 : i32
      %dma_start3A_677 = tpu.memref_slice %arg3[%dma_start3A_676, %multiple_of3A_669] : memref<32x1000000xf32, #tpu.memory_space<hbm>> -> memref<32x128xf32, #tpu.memory_space<hbm>>
      tpu.enqueue_dma source(%dma_start3A_677 : memref<32x128xf32, #tpu.memory_space<hbm>>) target(%arg16 : memref<32x128xf32, #tpu.memory_space<vmem>>) target_semaphore(%arg26 : memref<!tpu.dma_semaphore, #tpu.memory_space<semaphore_mem>>)
      %mul3A_678 = arith.constant 16 : i32
      %mul3A_679 = arith.muli %add3A_39, %mul3A_678 : i32
      %add3A_680 = arith.constant 11 : i32
      %add3A_681 = arith.addi %mul3A_679, %add3A_680 : i32
      %dma_wait3A_682 = arith.constant 0 : i32
      %dma_wait3A_683 = arith.constant 0 : i32
      %dma_wait3A_684 = tpu.memref_slice %arg2[%dma_wait3A_682, %dma_wait3A_683] : memref<32x1000000xf32, #tpu.memory_space<hbm>> -> memref<32x128xf32, #tpu.memory_space<hbm>>
      %dma_wait3A_685 = arith.constant 0 : i32
      %dma_wait3A_686 = arith.constant 0 : i32
      %dma_wait3A_687 = tpu.memref_slice %arg2[%dma_wait3A_685, %dma_wait3A_686] : memref<32x1000000xf32, #tpu.memory_space<hbm>> -> memref<32x128xf32, #tpu.memory_space<hbm>>
      tpu.wait_dma2 semaphore(%arg25 : memref<!tpu.dma_semaphore, #tpu.memory_space<semaphore_mem>>) src(%dma_wait3A_687 : memref<32x128xf32, #tpu.memory_space<hbm>>) dst(%arg15 : memref<32x128xf32, #tpu.memory_space<vmem>>)
      %dma_wait3A_688 = arith.constant 0 : i32
      %dma_wait3A_689 = arith.constant 0 : i32
      %dma_wait3A_690 = tpu.memref_slice %arg2[%dma_wait3A_688, %dma_wait3A_689] : memref<32x1000000xf32, #tpu.memory_space<hbm>> -> memref<32x128xf32, #tpu.memory_space<hbm>>
      %dma_wait3A_691 = arith.constant 0 : i32
      %dma_wait3A_692 = arith.constant 0 : i32
      %dma_wait3A_693 = tpu.memref_slice %arg2[%dma_wait3A_691, %dma_wait3A_692] : memref<32x1000000xf32, #tpu.memory_space<hbm>> -> memref<32x128xf32, #tpu.memory_space<hbm>>
      tpu.wait_dma2 semaphore(%arg27 : memref<!tpu.dma_semaphore, #tpu.memory_space<semaphore_mem>>) src(%dma_wait3A_693 : memref<32x128xf32, #tpu.memory_space<hbm>>) dst(%arg17 : memref<32x128xf32, #tpu.memory_space<vmem>>)
      %slice3A_694 = vector.extract_strided_slice %get3A_42 {offsets = [11], sizes = [1], strides = [1]} : vector<16xi32> to vector<1xi32>
      %squeeze3A_695 = vector.extract %slice3A_694[0] : i32 from vector<1xi32>
      %and3A_696 = arith.constant 127 : i32
      %and3A_697 = arith.andi %squeeze3A_695, %and3A_696 : i32
      %broadcast_in_dim3A_698 = vector.broadcast %and3A_697 : i32 to vector<16xi32>
      %broadcast_in_dim3A_699 = vector.broadcast %add3A_681 : i32 to vector<16xi32>
      %gather3A_700 = tpu.vector_load_idx %arg15[%iota3A, %broadcast_in_dim3A_698] : memref<32x128xf32, #tpu.memory_space<vmem>>[vector<16xi32>, vector<16xi32>], vector<16xf32>,
      %gather3A_701 = tpu.vector_load_idx %arg15[%add3A_12, %broadcast_in_dim3A_698] : memref<32x128xf32, #tpu.memory_space<vmem>>[vector<16xi32>, vector<16xi32>], vector<16xf32>,
      tpu.vector_store_idx %arg18[%iota3A, %broadcast_in_dim3A_699], %gather3A_700 : memref<32x512xf32, #tpu.memory_space<vmem>>[vector<16xi32>, vector<16xi32>], vector<16xf32>,
      tpu.vector_store_idx %arg18[%add3A_12, %broadcast_in_dim3A_699], %gather3A_701 : memref<32x512xf32, #tpu.memory_space<vmem>>[vector<16xi32>, vector<16xi32>], vector<16xf32>,
      %slice3A_702 = vector.extract_strided_slice %get3A_46 {offsets = [11], sizes = [1], strides = [1]} : vector<16xi32> to vector<1xi32>
      %squeeze3A_703 = vector.extract %slice3A_702[0] : i32 from vector<1xi32>
      %and3A_704 = arith.constant 127 : i32
      %and3A_705 = arith.andi %squeeze3A_703, %and3A_704 : i32
      %broadcast_in_dim3A_706 = vector.broadcast %and3A_705 : i32 to vector<16xi32>
      %broadcast_in_dim3A_707 = vector.broadcast %add3A_681 : i32 to vector<16xi32>
      %gather3A_708 = tpu.vector_load_idx %arg17[%iota3A, %broadcast_in_dim3A_706] : memref<32x128xf32, #tpu.memory_space<vmem>>[vector<16xi32>, vector<16xi32>], vector<16xf32>,
      %gather3A_709 = tpu.vector_load_idx %arg17[%add3A_12, %broadcast_in_dim3A_706] : memref<32x128xf32, #tpu.memory_space<vmem>>[vector<16xi32>, vector<16xi32>], vector<16xf32>,
      tpu.vector_store_idx %arg19[%iota3A, %broadcast_in_dim3A_707], %gather3A_708 : memref<32x512xf32, #tpu.memory_space<vmem>>[vector<16xi32>, vector<16xi32>], vector<16xf32>,
      tpu.vector_store_idx %arg19[%add3A_12, %broadcast_in_dim3A_707], %gather3A_709 : memref<32x512xf32, #tpu.memory_space<vmem>>[vector<16xi32>, vector<16xi32>], vector<16xf32>,
      %slice3A_710 = vector.extract_strided_slice %get3A_42 {offsets = [13], sizes = [1], strides = [1]} : vector<16xi32> to vector<1xi32>
      %squeeze3A_711 = vector.extract %slice3A_710[0] : i32 from vector<1xi32>
      %slice3A_712 = vector.extract_strided_slice %get3A_46 {offsets = [13], sizes = [1], strides = [1]} : vector<16xi32> to vector<1xi32>
      %squeeze3A_713 = vector.extract %slice3A_712[0] : i32 from vector<1xi32>
      %shift_right_arithmetic3A_714 = arith.constant 7 : i32
      %shift_right_arithmetic3A_715 = arith.shrsi %squeeze3A_711, %shift_right_arithmetic3A_714 : i32
      %shift_left3A_716 = arith.constant 7 : i32
      %shift_left3A_717 = arith.shli %shift_right_arithmetic3A_715, %shift_left3A_716 : i32
      %multiple_of3A_718 = tpu.assume_multiple %shift_left3A_717, 128 : i32
      %shift_right_arithmetic3A_719 = arith.constant 7 : i32
      %shift_right_arithmetic3A_720 = arith.shrsi %squeeze3A_713, %shift_right_arithmetic3A_719 : i32
      %shift_left3A_721 = arith.constant 7 : i32
      %shift_left3A_722 = arith.shli %shift_right_arithmetic3A_720, %shift_left3A_721 : i32
      %multiple_of3A_723 = tpu.assume_multiple %shift_left3A_722, 128 : i32
      %dma_start3A_724 = arith.constant 0 : i32
      %dma_start3A_725 = tpu.memref_slice %arg2[%dma_start3A_724, %multiple_of3A_718] : memref<32x1000000xf32, #tpu.memory_space<hbm>> -> memref<32x128xf32, #tpu.memory_space<hbm>>
      %dma_start3A_726 = arith.constant 0 : i32
      %dma_start3A_727 = tpu.memref_slice %arg2[%dma_start3A_726, %multiple_of3A_718] : memref<32x1000000xf32, #tpu.memory_space<hbm>> -> memref<32x128xf32, #tpu.memory_space<hbm>>
      tpu.enqueue_dma source(%dma_start3A_727 : memref<32x128xf32, #tpu.memory_space<hbm>>) target(%arg15 : memref<32x128xf32, #tpu.memory_space<vmem>>) target_semaphore(%arg25 : memref<!tpu.dma_semaphore, #tpu.memory_space<semaphore_mem>>)
      %dma_start3A_728 = arith.constant 0 : i32
      %dma_start3A_729 = tpu.memref_slice %arg3[%dma_start3A_728, %multiple_of3A_723] : memref<32x1000000xf32, #tpu.memory_space<hbm>> -> memref<32x128xf32, #tpu.memory_space<hbm>>
      %dma_start3A_730 = arith.constant 0 : i32
      %dma_start3A_731 = tpu.memref_slice %arg3[%dma_start3A_730, %multiple_of3A_723] : memref<32x1000000xf32, #tpu.memory_space<hbm>> -> memref<32x128xf32, #tpu.memory_space<hbm>>
      tpu.enqueue_dma source(%dma_start3A_731 : memref<32x128xf32, #tpu.memory_space<hbm>>) target(%arg17 : memref<32x128xf32, #tpu.memory_space<vmem>>) target_semaphore(%arg27 : memref<!tpu.dma_semaphore, #tpu.memory_space<semaphore_mem>>)
      %mul3A_732 = arith.constant 16 : i32
      %mul3A_733 = arith.muli %add3A_39, %mul3A_732 : i32
      %add3A_734 = arith.constant 12 : i32
      %add3A_735 = arith.addi %mul3A_733, %add3A_734 : i32
      %dma_wait3A_736 = arith.constant 0 : i32
      %dma_wait3A_737 = arith.constant 0 : i32
      %dma_wait3A_738 = tpu.memref_slice %arg2[%dma_wait3A_736, %dma_wait3A_737] : memref<32x1000000xf32, #tpu.memory_space<hbm>> -> memref<32x128xf32, #tpu.memory_space<hbm>>
      %dma_wait3A_739 = arith.constant 0 : i32
      %dma_wait3A_740 = arith.constant 0 : i32
      %dma_wait3A_741 = tpu.memref_slice %arg2[%dma_wait3A_739, %dma_wait3A_740] : memref<32x1000000xf32, #tpu.memory_space<hbm>> -> memref<32x128xf32, #tpu.memory_space<hbm>>
      tpu.wait_dma2 semaphore(%arg24 : memref<!tpu.dma_semaphore, #tpu.memory_space<semaphore_mem>>) src(%dma_wait3A_741 : memref<32x128xf32, #tpu.memory_space<hbm>>) dst(%arg14 : memref<32x128xf32, #tpu.memory_space<vmem>>)
      %dma_wait3A_742 = arith.constant 0 : i32
      %dma_wait3A_743 = arith.constant 0 : i32
      %dma_wait3A_744 = tpu.memref_slice %arg2[%dma_wait3A_742, %dma_wait3A_743] : memref<32x1000000xf32, #tpu.memory_space<hbm>> -> memref<32x128xf32, #tpu.memory_space<hbm>>
      %dma_wait3A_745 = arith.constant 0 : i32
      %dma_wait3A_746 = arith.constant 0 : i32
      %dma_wait3A_747 = tpu.memref_slice %arg2[%dma_wait3A_745, %dma_wait3A_746] : memref<32x1000000xf32, #tpu.memory_space<hbm>> -> memref<32x128xf32, #tpu.memory_space<hbm>>
      tpu.wait_dma2 semaphore(%arg26 : memref<!tpu.dma_semaphore, #tpu.memory_space<semaphore_mem>>) src(%dma_wait3A_747 : memref<32x128xf32, #tpu.memory_space<hbm>>) dst(%arg16 : memref<32x128xf32, #tpu.memory_space<vmem>>)
      %slice3A_748 = vector.extract_strided_slice %get3A_42 {offsets = [12], sizes = [1], strides = [1]} : vector<16xi32> to vector<1xi32>
      %squeeze3A_749 = vector.extract %slice3A_748[0] : i32 from vector<1xi32>
      %and3A_750 = arith.constant 127 : i32
      %and3A_751 = arith.andi %squeeze3A_749, %and3A_750 : i32
      %broadcast_in_dim3A_752 = vector.broadcast %and3A_751 : i32 to vector<16xi32>
      %broadcast_in_dim3A_753 = vector.broadcast %add3A_735 : i32 to vector<16xi32>
      %gather3A_754 = tpu.vector_load_idx %arg14[%iota3A, %broadcast_in_dim3A_752] : memref<32x128xf32, #tpu.memory_space<vmem>>[vector<16xi32>, vector<16xi32>], vector<16xf32>,
      %gather3A_755 = tpu.vector_load_idx %arg14[%add3A_12, %broadcast_in_dim3A_752] : memref<32x128xf32, #tpu.memory_space<vmem>>[vector<16xi32>, vector<16xi32>], vector<16xf32>,
      tpu.vector_store_idx %arg18[%iota3A, %broadcast_in_dim3A_753], %gather3A_754 : memref<32x512xf32, #tpu.memory_space<vmem>>[vector<16xi32>, vector<16xi32>], vector<16xf32>,
      tpu.vector_store_idx %arg18[%add3A_12, %broadcast_in_dim3A_753], %gather3A_755 : memref<32x512xf32, #tpu.memory_space<vmem>>[vector<16xi32>, vector<16xi32>], vector<16xf32>,
      %slice3A_756 = vector.extract_strided_slice %get3A_46 {offsets = [12], sizes = [1], strides = [1]} : vector<16xi32> to vector<1xi32>
      %squeeze3A_757 = vector.extract %slice3A_756[0] : i32 from vector<1xi32>
      %and3A_758 = arith.constant 127 : i32
      %and3A_759 = arith.andi %squeeze3A_757, %and3A_758 : i32
      %broadcast_in_dim3A_760 = vector.broadcast %and3A_759 : i32 to vector<16xi32>
      %broadcast_in_dim3A_761 = vector.broadcast %add3A_735 : i32 to vector<16xi32>
      %gather3A_762 = tpu.vector_load_idx %arg16[%iota3A, %broadcast_in_dim3A_760] : memref<32x128xf32, #tpu.memory_space<vmem>>[vector<16xi32>, vector<16xi32>], vector<16xf32>,
      %gather3A_763 = tpu.vector_load_idx %arg16[%add3A_12, %broadcast_in_dim3A_760] : memref<32x128xf32, #tpu.memory_space<vmem>>[vector<16xi32>, vector<16xi32>], vector<16xf32>,
      tpu.vector_store_idx %arg19[%iota3A, %broadcast_in_dim3A_761], %gather3A_762 : memref<32x512xf32, #tpu.memory_space<vmem>>[vector<16xi32>, vector<16xi32>], vector<16xf32>,
      tpu.vector_store_idx %arg19[%add3A_12, %broadcast_in_dim3A_761], %gather3A_763 : memref<32x512xf32, #tpu.memory_space<vmem>>[vector<16xi32>, vector<16xi32>], vector<16xf32>,
      %slice3A_764 = vector.extract_strided_slice %get3A_42 {offsets = [14], sizes = [1], strides = [1]} : vector<16xi32> to vector<1xi32>
      %squeeze3A_765 = vector.extract %slice3A_764[0] : i32 from vector<1xi32>
      %slice3A_766 = vector.extract_strided_slice %get3A_46 {offsets = [14], sizes = [1], strides = [1]} : vector<16xi32> to vector<1xi32>
      %squeeze3A_767 = vector.extract %slice3A_766[0] : i32 from vector<1xi32>
      %shift_right_arithmetic3A_768 = arith.constant 7 : i32
      %shift_right_arithmetic3A_769 = arith.shrsi %squeeze3A_765, %shift_right_arithmetic3A_768 : i32
      %shift_left3A_770 = arith.constant 7 : i32
      %shift_left3A_771 = arith.shli %shift_right_arithmetic3A_769, %shift_left3A_770 : i32
      %multiple_of3A_772 = tpu.assume_multiple %shift_left3A_771, 128 : i32
      %shift_right_arithmetic3A_773 = arith.constant 7 : i32
      %shift_right_arithmetic3A_774 = arith.shrsi %squeeze3A_767, %shift_right_arithmetic3A_773 : i32
      %shift_left3A_775 = arith.constant 7 : i32
      %shift_left3A_776 = arith.shli %shift_right_arithmetic3A_774, %shift_left3A_775 : i32
      %multiple_of3A_777 = tpu.assume_multiple %shift_left3A_776, 128 : i32
      %dma_start3A_778 = arith.constant 0 : i32
      %dma_start3A_779 = tpu.memref_slice %arg2[%dma_start3A_778, %multiple_of3A_772] : memref<32x1000000xf32, #tpu.memory_space<hbm>> -> memref<32x128xf32, #tpu.memory_space<hbm>>
      %dma_start3A_780 = arith.constant 0 : i32
      %dma_start3A_781 = tpu.memref_slice %arg2[%dma_start3A_780, %multiple_of3A_772] : memref<32x1000000xf32, #tpu.memory_space<hbm>> -> memref<32x128xf32, #tpu.memory_space<hbm>>
      tpu.enqueue_dma source(%dma_start3A_781 : memref<32x128xf32, #tpu.memory_space<hbm>>) target(%arg14 : memref<32x128xf32, #tpu.memory_space<vmem>>) target_semaphore(%arg24 : memref<!tpu.dma_semaphore, #tpu.memory_space<semaphore_mem>>)
      %dma_start3A_782 = arith.constant 0 : i32
      %dma_start3A_783 = tpu.memref_slice %arg3[%dma_start3A_782, %multiple_of3A_777] : memref<32x1000000xf32, #tpu.memory_space<hbm>> -> memref<32x128xf32, #tpu.memory_space<hbm>>
      %dma_start3A_784 = arith.constant 0 : i32
      %dma_start3A_785 = tpu.memref_slice %arg3[%dma_start3A_784, %multiple_of3A_777] : memref<32x1000000xf32, #tpu.memory_space<hbm>> -> memref<32x128xf32, #tpu.memory_space<hbm>>
      tpu.enqueue_dma source(%dma_start3A_785 : memref<32x128xf32, #tpu.memory_space<hbm>>) target(%arg16 : memref<32x128xf32, #tpu.memory_space<vmem>>) target_semaphore(%arg26 : memref<!tpu.dma_semaphore, #tpu.memory_space<semaphore_mem>>)
      %mul3A_786 = arith.constant 16 : i32
      %mul3A_787 = arith.muli %add3A_39, %mul3A_786 : i32
      %add3A_788 = arith.constant 13 : i32
      %add3A_789 = arith.addi %mul3A_787, %add3A_788 : i32
      %dma_wait3A_790 = arith.constant 0 : i32
      %dma_wait3A_791 = arith.constant 0 : i32
      %dma_wait3A_792 = tpu.memref_slice %arg2[%dma_wait3A_790, %dma_wait3A_791] : memref<32x1000000xf32, #tpu.memory_space<hbm>> -> memref<32x128xf32, #tpu.memory_space<hbm>>
      %dma_wait3A_793 = arith.constant 0 : i32
      %dma_wait3A_794 = arith.constant 0 : i32
      %dma_wait3A_795 = tpu.memref_slice %arg2[%dma_wait3A_793, %dma_wait3A_794] : memref<32x1000000xf32, #tpu.memory_space<hbm>> -> memref<32x128xf32, #tpu.memory_space<hbm>>
      tpu.wait_dma2 semaphore(%arg25 : memref<!tpu.dma_semaphore, #tpu.memory_space<semaphore_mem>>) src(%dma_wait3A_795 : memref<32x128xf32, #tpu.memory_space<hbm>>) dst(%arg15 : memref<32x128xf32, #tpu.memory_space<vmem>>)
      %dma_wait3A_796 = arith.constant 0 : i32
      %dma_wait3A_797 = arith.constant 0 : i32
      %dma_wait3A_798 = tpu.memref_slice %arg2[%dma_wait3A_796, %dma_wait3A_797] : memref<32x1000000xf32, #tpu.memory_space<hbm>> -> memref<32x128xf32, #tpu.memory_space<hbm>>
      %dma_wait3A_799 = arith.constant 0 : i32
      %dma_wait3A_800 = arith.constant 0 : i32
      %dma_wait3A_801 = tpu.memref_slice %arg2[%dma_wait3A_799, %dma_wait3A_800] : memref<32x1000000xf32, #tpu.memory_space<hbm>> -> memref<32x128xf32, #tpu.memory_space<hbm>>
      tpu.wait_dma2 semaphore(%arg27 : memref<!tpu.dma_semaphore, #tpu.memory_space<semaphore_mem>>) src(%dma_wait3A_801 : memref<32x128xf32, #tpu.memory_space<hbm>>) dst(%arg17 : memref<32x128xf32, #tpu.memory_space<vmem>>)
      %slice3A_802 = vector.extract_strided_slice %get3A_42 {offsets = [13], sizes = [1], strides = [1]} : vector<16xi32> to vector<1xi32>
      %squeeze3A_803 = vector.extract %slice3A_802[0] : i32 from vector<1xi32>
      %and3A_804 = arith.constant 127 : i32
      %and3A_805 = arith.andi %squeeze3A_803, %and3A_804 : i32
      %broadcast_in_dim3A_806 = vector.broadcast %and3A_805 : i32 to vector<16xi32>
      %broadcast_in_dim3A_807 = vector.broadcast %add3A_789 : i32 to vector<16xi32>
      %gather3A_808 = tpu.vector_load_idx %arg15[%iota3A, %broadcast_in_dim3A_806] : memref<32x128xf32, #tpu.memory_space<vmem>>[vector<16xi32>, vector<16xi32>], vector<16xf32>,
      %gather3A_809 = tpu.vector_load_idx %arg15[%add3A_12, %broadcast_in_dim3A_806] : memref<32x128xf32, #tpu.memory_space<vmem>>[vector<16xi32>, vector<16xi32>], vector<16xf32>,
      tpu.vector_store_idx %arg18[%iota3A, %broadcast_in_dim3A_807], %gather3A_808 : memref<32x512xf32, #tpu.memory_space<vmem>>[vector<16xi32>, vector<16xi32>], vector<16xf32>,
      tpu.vector_store_idx %arg18[%add3A_12, %broadcast_in_dim3A_807], %gather3A_809 : memref<32x512xf32, #tpu.memory_space<vmem>>[vector<16xi32>, vector<16xi32>], vector<16xf32>,
      %slice3A_810 = vector.extract_strided_slice %get3A_46 {offsets = [13], sizes = [1], strides = [1]} : vector<16xi32> to vector<1xi32>
      %squeeze3A_811 = vector.extract %slice3A_810[0] : i32 from vector<1xi32>
      %and3A_812 = arith.constant 127 : i32
      %and3A_813 = arith.andi %squeeze3A_811, %and3A_812 : i32
      %broadcast_in_dim3A_814 = vector.broadcast %and3A_813 : i32 to vector<16xi32>
      %broadcast_in_dim3A_815 = vector.broadcast %add3A_789 : i32 to vector<16xi32>
      %gather3A_816 = tpu.vector_load_idx %arg17[%iota3A, %broadcast_in_dim3A_814] : memref<32x128xf32, #tpu.memory_space<vmem>>[vector<16xi32>, vector<16xi32>], vector<16xf32>,
      %gather3A_817 = tpu.vector_load_idx %arg17[%add3A_12, %broadcast_in_dim3A_814] : memref<32x128xf32, #tpu.memory_space<vmem>>[vector<16xi32>, vector<16xi32>], vector<16xf32>,
      tpu.vector_store_idx %arg19[%iota3A, %broadcast_in_dim3A_815], %gather3A_816 : memref<32x512xf32, #tpu.memory_space<vmem>>[vector<16xi32>, vector<16xi32>], vector<16xf32>,
      tpu.vector_store_idx %arg19[%add3A_12, %broadcast_in_dim3A_815], %gather3A_817 : memref<32x512xf32, #tpu.memory_space<vmem>>[vector<16xi32>, vector<16xi32>], vector<16xf32>,
      %slice3A_818 = vector.extract_strided_slice %get3A_42 {offsets = [15], sizes = [1], strides = [1]} : vector<16xi32> to vector<1xi32>
      %squeeze3A_819 = vector.extract %slice3A_818[0] : i32 from vector<1xi32>
      %slice3A_820 = vector.extract_strided_slice %get3A_46 {offsets = [15], sizes = [1], strides = [1]} : vector<16xi32> to vector<1xi32>
      %squeeze3A_821 = vector.extract %slice3A_820[0] : i32 from vector<1xi32>
      %shift_right_arithmetic3A_822 = arith.constant 7 : i32
      %shift_right_arithmetic3A_823 = arith.shrsi %squeeze3A_819, %shift_right_arithmetic3A_822 : i32
      %shift_left3A_824 = arith.constant 7 : i32
      %shift_left3A_825 = arith.shli %shift_right_arithmetic3A_823, %shift_left3A_824 : i32
      %multiple_of3A_826 = tpu.assume_multiple %shift_left3A_825, 128 : i32
      %shift_right_arithmetic3A_827 = arith.constant 7 : i32
      %shift_right_arithmetic3A_828 = arith.shrsi %squeeze3A_821, %shift_right_arithmetic3A_827 : i32
      %shift_left3A_829 = arith.constant 7 : i32
      %shift_left3A_830 = arith.shli %shift_right_arithmetic3A_828, %shift_left3A_829 : i32
      %multiple_of3A_831 = tpu.assume_multiple %shift_left3A_830, 128 : i32
      %dma_start3A_832 = arith.constant 0 : i32
      %dma_start3A_833 = tpu.memref_slice %arg2[%dma_start3A_832, %multiple_of3A_826] : memref<32x1000000xf32, #tpu.memory_space<hbm>> -> memref<32x128xf32, #tpu.memory_space<hbm>>
      %dma_start3A_834 = arith.constant 0 : i32
      %dma_start3A_835 = tpu.memref_slice %arg2[%dma_start3A_834, %multiple_of3A_826] : memref<32x1000000xf32, #tpu.memory_space<hbm>> -> memref<32x128xf32, #tpu.memory_space<hbm>>
      tpu.enqueue_dma source(%dma_start3A_835 : memref<32x128xf32, #tpu.memory_space<hbm>>) target(%arg15 : memref<32x128xf32, #tpu.memory_space<vmem>>) target_semaphore(%arg25 : memref<!tpu.dma_semaphore, #tpu.memory_space<semaphore_mem>>)
      %dma_start3A_836 = arith.constant 0 : i32
      %dma_start3A_837 = tpu.memref_slice %arg3[%dma_start3A_836, %multiple_of3A_831] : memref<32x1000000xf32, #tpu.memory_space<hbm>> -> memref<32x128xf32, #tpu.memory_space<hbm>>
      %dma_start3A_838 = arith.constant 0 : i32
      %dma_start3A_839 = tpu.memref_slice %arg3[%dma_start3A_838, %multiple_of3A_831] : memref<32x1000000xf32, #tpu.memory_space<hbm>> -> memref<32x128xf32, #tpu.memory_space<hbm>>
      tpu.enqueue_dma source(%dma_start3A_839 : memref<32x128xf32, #tpu.memory_space<hbm>>) target(%arg17 : memref<32x128xf32, #tpu.memory_space<vmem>>) target_semaphore(%arg27 : memref<!tpu.dma_semaphore, #tpu.memory_space<semaphore_mem>>)
      %mul3A_840 = arith.constant 16 : i32
      %mul3A_841 = arith.muli %add3A_39, %mul3A_840 : i32
      %add3A_842 = arith.constant 14 : i32
      %add3A_843 = arith.addi %mul3A_841, %add3A_842 : i32
      %dma_wait3A_844 = arith.constant 0 : i32
      %dma_wait3A_845 = arith.constant 0 : i32
      %dma_wait3A_846 = tpu.memref_slice %arg2[%dma_wait3A_844, %dma_wait3A_845] : memref<32x1000000xf32, #tpu.memory_space<hbm>> -> memref<32x128xf32, #tpu.memory_space<hbm>>
      %dma_wait3A_847 = arith.constant 0 : i32
      %dma_wait3A_848 = arith.constant 0 : i32
      %dma_wait3A_849 = tpu.memref_slice %arg2[%dma_wait3A_847, %dma_wait3A_848] : memref<32x1000000xf32, #tpu.memory_space<hbm>> -> memref<32x128xf32, #tpu.memory_space<hbm>>
      tpu.wait_dma2 semaphore(%arg24 : memref<!tpu.dma_semaphore, #tpu.memory_space<semaphore_mem>>) src(%dma_wait3A_849 : memref<32x128xf32, #tpu.memory_space<hbm>>) dst(%arg14 : memref<32x128xf32, #tpu.memory_space<vmem>>)
      %dma_wait3A_850 = arith.constant 0 : i32
      %dma_wait3A_851 = arith.constant 0 : i32
      %dma_wait3A_852 = tpu.memref_slice %arg2[%dma_wait3A_850, %dma_wait3A_851] : memref<32x1000000xf32, #tpu.memory_space<hbm>> -> memref<32x128xf32, #tpu.memory_space<hbm>>
      %dma_wait3A_853 = arith.constant 0 : i32
      %dma_wait3A_854 = arith.constant 0 : i32
      %dma_wait3A_855 = tpu.memref_slice %arg2[%dma_wait3A_853, %dma_wait3A_854] : memref<32x1000000xf32, #tpu.memory_space<hbm>> -> memref<32x128xf32, #tpu.memory_space<hbm>>
      tpu.wait_dma2 semaphore(%arg26 : memref<!tpu.dma_semaphore, #tpu.memory_space<semaphore_mem>>) src(%dma_wait3A_855 : memref<32x128xf32, #tpu.memory_space<hbm>>) dst(%arg16 : memref<32x128xf32, #tpu.memory_space<vmem>>)
      %slice3A_856 = vector.extract_strided_slice %get3A_42 {offsets = [14], sizes = [1], strides = [1]} : vector<16xi32> to vector<1xi32>
      %squeeze3A_857 = vector.extract %slice3A_856[0] : i32 from vector<1xi32>
      %and3A_858 = arith.constant 127 : i32
      %and3A_859 = arith.andi %squeeze3A_857, %and3A_858 : i32
      %broadcast_in_dim3A_860 = vector.broadcast %and3A_859 : i32 to vector<16xi32>
      %broadcast_in_dim3A_861 = vector.broadcast %add3A_843 : i32 to vector<16xi32>
      %gather3A_862 = tpu.vector_load_idx %arg14[%iota3A, %broadcast_in_dim3A_860] : memref<32x128xf32, #tpu.memory_space<vmem>>[vector<16xi32>, vector<16xi32>], vector<16xf32>,
      %gather3A_863 = tpu.vector_load_idx %arg14[%add3A_12, %broadcast_in_dim3A_860] : memref<32x128xf32, #tpu.memory_space<vmem>>[vector<16xi32>, vector<16xi32>], vector<16xf32>,
      tpu.vector_store_idx %arg18[%iota3A, %broadcast_in_dim3A_861], %gather3A_862 : memref<32x512xf32, #tpu.memory_space<vmem>>[vector<16xi32>, vector<16xi32>], vector<16xf32>,
      tpu.vector_store_idx %arg18[%add3A_12, %broadcast_in_dim3A_861], %gather3A_863 : memref<32x512xf32, #tpu.memory_space<vmem>>[vector<16xi32>, vector<16xi32>], vector<16xf32>,
      %slice3A_864 = vector.extract_strided_slice %get3A_46 {offsets = [14], sizes = [1], strides = [1]} : vector<16xi32> to vector<1xi32>
      %squeeze3A_865 = vector.extract %slice3A_864[0] : i32 from vector<1xi32>
      %and3A_866 = arith.constant 127 : i32
      %and3A_867 = arith.andi %squeeze3A_865, %and3A_866 : i32
      %broadcast_in_dim3A_868 = vector.broadcast %and3A_867 : i32 to vector<16xi32>
      %broadcast_in_dim3A_869 = vector.broadcast %add3A_843 : i32 to vector<16xi32>
      %gather3A_870 = tpu.vector_load_idx %arg16[%iota3A, %broadcast_in_dim3A_868] : memref<32x128xf32, #tpu.memory_space<vmem>>[vector<16xi32>, vector<16xi32>], vector<16xf32>,
      %gather3A_871 = tpu.vector_load_idx %arg16[%add3A_12, %broadcast_in_dim3A_868] : memref<32x128xf32, #tpu.memory_space<vmem>>[vector<16xi32>, vector<16xi32>], vector<16xf32>,
      tpu.vector_store_idx %arg19[%iota3A, %broadcast_in_dim3A_869], %gather3A_870 : memref<32x512xf32, #tpu.memory_space<vmem>>[vector<16xi32>, vector<16xi32>], vector<16xf32>,
      tpu.vector_store_idx %arg19[%add3A_12, %broadcast_in_dim3A_869], %gather3A_871 : memref<32x512xf32, #tpu.memory_space<vmem>>[vector<16xi32>, vector<16xi32>], vector<16xf32>,
      %mul3A_872 = arith.constant 16 : i32
      %mul3A_873 = arith.muli %add3A_39, %mul3A_872 : i32
      %add3A_874 = arith.constant 15 : i32
      %add3A_875 = arith.addi %mul3A_873, %add3A_874 : i32
      %dma_wait3A_876 = arith.constant 0 : i32
      %dma_wait3A_877 = arith.constant 0 : i32
      %dma_wait3A_878 = tpu.memref_slice %arg2[%dma_wait3A_876, %dma_wait3A_877] : memref<32x1000000xf32, #tpu.memory_space<hbm>> -> memref<32x128xf32, #tpu.memory_space<hbm>>
      %dma_wait3A_879 = arith.constant 0 : i32
      %dma_wait3A_880 = arith.constant 0 : i32
      %dma_wait3A_881 = tpu.memref_slice %arg2[%dma_wait3A_879, %dma_wait3A_880] : memref<32x1000000xf32, #tpu.memory_space<hbm>> -> memref<32x128xf32, #tpu.memory_space<hbm>>
      tpu.wait_dma2 semaphore(%arg25 : memref<!tpu.dma_semaphore, #tpu.memory_space<semaphore_mem>>) src(%dma_wait3A_881 : memref<32x128xf32, #tpu.memory_space<hbm>>) dst(%arg15 : memref<32x128xf32, #tpu.memory_space<vmem>>)
      %dma_wait3A_882 = arith.constant 0 : i32
      %dma_wait3A_883 = arith.constant 0 : i32
      %dma_wait3A_884 = tpu.memref_slice %arg2[%dma_wait3A_882, %dma_wait3A_883] : memref<32x1000000xf32, #tpu.memory_space<hbm>> -> memref<32x128xf32, #tpu.memory_space<hbm>>
      %dma_wait3A_885 = arith.constant 0 : i32
      %dma_wait3A_886 = arith.constant 0 : i32
      %dma_wait3A_887 = tpu.memref_slice %arg2[%dma_wait3A_885, %dma_wait3A_886] : memref<32x1000000xf32, #tpu.memory_space<hbm>> -> memref<32x128xf32, #tpu.memory_space<hbm>>
      tpu.wait_dma2 semaphore(%arg27 : memref<!tpu.dma_semaphore, #tpu.memory_space<semaphore_mem>>) src(%dma_wait3A_887 : memref<32x128xf32, #tpu.memory_space<hbm>>) dst(%arg17 : memref<32x128xf32, #tpu.memory_space<vmem>>)
      %slice3A_888 = vector.extract_strided_slice %get3A_42 {offsets = [15], sizes = [1], strides = [1]} : vector<16xi32> to vector<1xi32>
      %squeeze3A_889 = vector.extract %slice3A_888[0] : i32 from vector<1xi32>
      %and3A_890 = arith.constant 127 : i32
      %and3A_891 = arith.andi %squeeze3A_889, %and3A_890 : i32
      %broadcast_in_dim3A_892 = vector.broadcast %and3A_891 : i32 to vector<16xi32>
      %broadcast_in_dim3A_893 = vector.broadcast %add3A_875 : i32 to vector<16xi32>
      %gather3A_894 = tpu.vector_load_idx %arg15[%iota3A, %broadcast_in_dim3A_892] : memref<32x128xf32, #tpu.memory_space<vmem>>[vector<16xi32>, vector<16xi32>], vector<16xf32>,
      %gather3A_895 = tpu.vector_load_idx %arg15[%add3A_12, %broadcast_in_dim3A_892] : memref<32x128xf32, #tpu.memory_space<vmem>>[vector<16xi32>, vector<16xi32>], vector<16xf32>,
      tpu.vector_store_idx %arg18[%iota3A, %broadcast_in_dim3A_893], %gather3A_894 : memref<32x512xf32, #tpu.memory_space<vmem>>[vector<16xi32>, vector<16xi32>], vector<16xf32>,
      tpu.vector_store_idx %arg18[%add3A_12, %broadcast_in_dim3A_893], %gather3A_895 : memref<32x512xf32, #tpu.memory_space<vmem>>[vector<16xi32>, vector<16xi32>], vector<16xf32>,
      %slice3A_896 = vector.extract_strided_slice %get3A_46 {offsets = [15], sizes = [1], strides = [1]} : vector<16xi32> to vector<1xi32>
      %squeeze3A_897 = vector.extract %slice3A_896[0] : i32 from vector<1xi32>
      %and3A_898 = arith.constant 127 : i32
      %and3A_899 = arith.andi %squeeze3A_897, %and3A_898 : i32
      %broadcast_in_dim3A_900 = vector.broadcast %and3A_899 : i32 to vector<16xi32>
      %broadcast_in_dim3A_901 = vector.broadcast %add3A_875 : i32 to vector<16xi32>
      %gather3A_902 = tpu.vector_load_idx %arg17[%iota3A, %broadcast_in_dim3A_900] : memref<32x128xf32, #tpu.memory_space<vmem>>[vector<16xi32>, vector<16xi32>], vector<16xf32>,
      %gather3A_903 = tpu.vector_load_idx %arg17[%add3A_12, %broadcast_in_dim3A_900] : memref<32x128xf32, #tpu.memory_space<vmem>>[vector<16xi32>, vector<16xi32>], vector<16xf32>,
      tpu.vector_store_idx %arg19[%iota3A, %broadcast_in_dim3A_901], %gather3A_902 : memref<32x512xf32, #tpu.memory_space<vmem>>[vector<16xi32>, vector<16xi32>], vector<16xf32>,
      tpu.vector_store_idx %arg19[%add3A_12, %broadcast_in_dim3A_901], %gather3A_903 : memref<32x512xf32, #tpu.memory_space<vmem>>[vector<16xi32>, vector<16xi32>], vector<16xf32>,
    }
    %scan3A_16 = arith.constant 32 : i32
    %dma_wait3A = arith.constant 0 : i32
    %dma_wait3A_17 = tpu.memref_slice %arg6[%dma_wait3A, %mul3A_2] : memref<32x16384xf32, #tpu.memory_space<hbm>> -> memref<32x512xf32, #tpu.memory_space<hbm>>
    %dma_wait3A_18 = arith.constant 0 : i32
    %dma_wait3A_19 = tpu.memref_slice %arg6[%dma_wait3A_18, %mul3A_2] : memref<32x16384xf32, #tpu.memory_space<hbm>> -> memref<32x512xf32, #tpu.memory_space<hbm>>
    tpu.wait_dma2 semaphore(%arg28 : memref<!tpu.dma_semaphore, #tpu.memory_space<semaphore_mem>>) src(%dma_wait3A_19 : memref<32x512xf32, #tpu.memory_space<hbm>>) dst(%arg20 : memref<32x512xf32, #tpu.memory_space<vmem>>)
    %dma_wait3A_20 = arith.constant 0 : i32
    %dma_wait3A_21 = tpu.memref_slice %arg7[%dma_wait3A_20, %mul3A_2] : memref<32x16384xf32, #tpu.memory_space<hbm>> -> memref<32x512xf32, #tpu.memory_space<hbm>>
    %dma_wait3A_22 = arith.constant 0 : i32
    %dma_wait3A_23 = tpu.memref_slice %arg7[%dma_wait3A_22, %mul3A_2] : memref<32x16384xf32, #tpu.memory_space<hbm>> -> memref<32x512xf32, #tpu.memory_space<hbm>>
    tpu.wait_dma2 semaphore(%arg28 : memref<!tpu.dma_semaphore, #tpu.memory_space<semaphore_mem>>) src(%dma_wait3A_23 : memref<32x512xf32, #tpu.memory_space<hbm>>) dst(%arg21 : memref<32x512xf32, #tpu.memory_space<vmem>>)
    %broadcast_in_dim3A = arith.constant 0.000000e+00 : f32
    %broadcast_in_dim3A_24 = vector.broadcast %broadcast_in_dim3A : f32 to vector<16xf32>
    %swap3A = arith.constant 0 : index
    %swap3A_25 = tpu.vector_load %arg22[%swap3A] {strides = array<i32>} : memref<16xf32, #tpu.memory_space<vmem>>, vector<16xf32>,
    tpu.vector_store %arg22[%swap3A], %broadcast_in_dim3A_24 {strides = array<i32>} : memref<16xf32, #tpu.memory_space<vmem>>, vector<16xf32>,
    %broadcast_in_dim3A_26 = arith.constant 0.000000e+00 : f32
    %broadcast_in_dim3A_27 = vector.broadcast %broadcast_in_dim3A_26 : f32 to vector<16xf32>
    %swap3A_28 = arith.constant 0 : index
    %swap3A_29 = tpu.vector_load %arg23[%swap3A_28] {strides = array<i32>} : memref<16xf32, #tpu.memory_space<vmem>>, vector<16xf32>,
    tpu.vector_store %arg23[%swap3A_28], %broadcast_in_dim3A_27 {strides = array<i32>} : memref<16xf32, #tpu.memory_space<vmem>>, vector<16xf32>,
    %scan3A_30 = arith.constant 0 : i32
    %scan3A_31 = arith.constant 32 : i32
    %scan3A_32 = arith.addi %scan3A_30, %scan3A_31 : i32
    %scan3A_33 = arith.constant 1 : i32
    scf.for %scan3A_35 = %scan3A_30 to %scan3A_32 step %scan3A_33  : i32 {
      %mul3A_36 = arith.constant 1 : i32
      %mul3A_37 = arith.muli %scan3A_35, %mul3A_36 : i32
      %add3A_38 = arith.constant 0 : i32
      %add3A_39 = arith.addi %add3A_38, %mul3A_37 : i32
      %scan3A_40 = arith.constant 0 : i32
      %scan3A_41 = arith.constant 32 : i32
      %scan3A_42 = arith.addi %scan3A_40, %scan3A_41 : i32
      %scan3A_43 = arith.constant 1 : i32
      scf.for %scan3A_45 = %scan3A_40 to %scan3A_42 step %scan3A_43  : i32 {
        %mul3A_46 = arith.constant 1 : i32
        %mul3A_47 = arith.muli %scan3A_45, %mul3A_46 : i32
        %add3A_48 = arith.constant 0 : i32
        %add3A_49 = arith.addi %add3A_48, %mul3A_47 : i32
        %mul3A_50 = arith.constant 16 : i32
        %mul3A_51 = arith.muli %add3A_49, %mul3A_50 : i32
        %get3A = arith.index_cast %add3A_39 : i32 to index
        %get3A_52 = arith.index_cast %mul3A_51 : i32 to index
        %get3A_53 = tpu.vector_load %arg18[%get3A, %get3A_52] {strides = array<i32>} : memref<32x512xf32, #tpu.memory_space<vmem>>, vector<16xf32>,
        %get3A_54 = arith.index_cast %add3A_39 : i32 to index
        %get3A_55 = arith.index_cast %mul3A_51 : i32 to index
        %get3A_56 = tpu.vector_load %arg19[%get3A_54, %get3A_55] {strides = array<i32>} : memref<32x512xf32, #tpu.memory_space<vmem>>, vector<16xf32>,
        %get3A_57 = arith.index_cast %add3A_39 : i32 to index
        %get3A_58 = arith.index_cast %mul3A_51 : i32 to index
        %get3A_59 = tpu.vector_load %arg20[%get3A_57, %get3A_58] {strides = array<i32>} : memref<32x512xf32, #tpu.memory_space<vmem>>, vector<16xf32>,
        %get3A_60 = arith.index_cast %add3A_39 : i32 to index
        %get3A_61 = arith.index_cast %mul3A_51 : i32 to index
        %get3A_62 = tpu.vector_load %arg21[%get3A_60, %get3A_61] {strides = array<i32>} : memref<32x512xf32, #tpu.memory_space<vmem>>, vector<16xf32>,
        %add3A_63 = arith.addf %get3A_59, %get3A_53 : vector<16xf32>
        %swap3A_64 = arith.index_cast %add3A_39 : i32 to index
        %swap3A_65 = arith.index_cast %mul3A_51 : i32 to index
        %swap3A_66 = tpu.vector_load %arg20[%swap3A_64, %swap3A_65] {strides = array<i32>} : memref<32x512xf32, #tpu.memory_space<vmem>>, vector<16xf32>,
        tpu.vector_store %arg20[%swap3A_64, %swap3A_65], %add3A_63 {strides = array<i32>} : memref<32x512xf32, #tpu.memory_space<vmem>>, vector<16xf32>,
        %add3A_67 = arith.addf %get3A_62, %get3A_56 : vector<16xf32>
        %swap3A_68 = arith.index_cast %add3A_39 : i32 to index
        %swap3A_69 = arith.index_cast %mul3A_51 : i32 to index
        %swap3A_70 = tpu.vector_load %arg21[%swap3A_68, %swap3A_69] {strides = array<i32>} : memref<32x512xf32, #tpu.memory_space<vmem>>, vector<16xf32>,
        tpu.vector_store %arg21[%swap3A_68, %swap3A_69], %add3A_67 {strides = array<i32>} : memref<32x512xf32, #tpu.memory_space<vmem>>, vector<16xf32>,
        %sub3A = arith.subf %get3A_53, %get3A_62 : vector<16xf32>
        %sub3A_71 = arith.subf %get3A_56, %get3A_59 : vector<16xf32>
        %get3A_72 = arith.constant 0 : index
        %get3A_73 = tpu.vector_load %arg22[%get3A_72] {strides = array<i32>} : memref<16xf32, #tpu.memory_space<vmem>>, vector<16xf32>,
        %mul3A_74 = arith.mulf %sub3A, %sub3A : vector<16xf32>
        %add3A_75 = arith.addf %get3A_73, %mul3A_74 : vector<16xf32>
        %swap3A_76 = arith.constant 0 : index
        %swap3A_77 = tpu.vector_load %arg22[%swap3A_76] {strides = array<i32>} : memref<16xf32, #tpu.memory_space<vmem>>, vector<16xf32>,
        tpu.vector_store %arg22[%swap3A_76], %add3A_75 {strides = array<i32>} : memref<16xf32, #tpu.memory_space<vmem>>, vector<16xf32>,
        %get3A_78 = arith.constant 0 : index
        %get3A_79 = tpu.vector_load %arg23[%get3A_78] {strides = array<i32>} : memref<16xf32, #tpu.memory_space<vmem>>, vector<16xf32>,
        %mul3A_80 = arith.mulf %sub3A_71, %sub3A_71 : vector<16xf32>
        %add3A_81 = arith.addf %get3A_79, %mul3A_80 : vector<16xf32>
        %swap3A_82 = arith.constant 0 : index
        %swap3A_83 = tpu.vector_load %arg23[%swap3A_82] {strides = array<i32>} : memref<16xf32, #tpu.memory_space<vmem>>, vector<16xf32>,
        tpu.vector_store %arg23[%swap3A_82], %add3A_81 {strides = array<i32>} : memref<16xf32, #tpu.memory_space<vmem>>, vector<16xf32>,
      }
      %scan3A_44 = arith.constant 32 : i32
    }
    %scan3A_34 = arith.constant 32 : i32
    "tpu.region"() ({
      %run_scoped3A = tpu.sem_alloc : memref<!tpu.dma_semaphore, #tpu.memory_space<semaphore_mem>>
      %dma_start3A_35 = arith.constant 0 : i32
      %dma_start3A_36 = tpu.memref_slice %arg8[%dma_start3A_35, %mul3A_2] : memref<32x16384xf32, #tpu.memory_space<hbm>> -> memref<32x512xf32, #tpu.memory_space<hbm>>
      %dma_start3A_37 = arith.constant 0 : i32
      %dma_start3A_38 = tpu.memref_slice %arg8[%dma_start3A_37, %mul3A_2] : memref<32x16384xf32, #tpu.memory_space<hbm>> -> memref<32x512xf32, #tpu.memory_space<hbm>>
      tpu.enqueue_dma source(%arg20 : memref<32x512xf32, #tpu.memory_space<vmem>>) target(%dma_start3A_38 : memref<32x512xf32, #tpu.memory_space<hbm>>) target_semaphore(%run_scoped3A : memref<!tpu.dma_semaphore, #tpu.memory_space<semaphore_mem>>)
      %dma_wait3A_39 = arith.constant 0 : i32
      %dma_wait3A_40 = tpu.memref_slice %arg8[%dma_wait3A_39, %mul3A_2] : memref<32x16384xf32, #tpu.memory_space<hbm>> -> memref<32x512xf32, #tpu.memory_space<hbm>>
      %dma_wait3A_41 = arith.constant 0 : i32
      %dma_wait3A_42 = tpu.memref_slice %arg8[%dma_wait3A_41, %mul3A_2] : memref<32x16384xf32, #tpu.memory_space<hbm>> -> memref<32x512xf32, #tpu.memory_space<hbm>>
      tpu.wait_dma2 semaphore(%run_scoped3A : memref<!tpu.dma_semaphore, #tpu.memory_space<semaphore_mem>>) src(%arg20 : memref<32x512xf32, #tpu.memory_space<vmem>>) dst(%dma_wait3A_42 : memref<32x512xf32, #tpu.memory_space<hbm>>)
      tpu.yield
    }) : () -> ()
    "tpu.region"() ({
      %run_scoped3A = tpu.sem_alloc : memref<!tpu.dma_semaphore, #tpu.memory_space<semaphore_mem>>
      %dma_start3A_35 = arith.constant 0 : i32
      %dma_start3A_36 = tpu.memref_slice %arg9[%dma_start3A_35, %mul3A_2] : memref<32x16384xf32, #tpu.memory_space<hbm>> -> memref<32x512xf32, #tpu.memory_space<hbm>>
      %dma_start3A_37 = arith.constant 0 : i32
      %dma_start3A_38 = tpu.memref_slice %arg9[%dma_start3A_37, %mul3A_2] : memref<32x16384xf32, #tpu.memory_space<hbm>> -> memref<32x512xf32, #tpu.memory_space<hbm>>
      tpu.enqueue_dma source(%arg21 : memref<32x512xf32, #tpu.memory_space<vmem>>) target(%dma_start3A_38 : memref<32x512xf32, #tpu.memory_space<hbm>>) target_semaphore(%run_scoped3A : memref<!tpu.dma_semaphore, #tpu.memory_space<semaphore_mem>>)
      %dma_wait3A_39 = arith.constant 0 : i32
      %dma_wait3A_40 = tpu.memref_slice %arg9[%dma_wait3A_39, %mul3A_2] : memref<32x16384xf32, #tpu.memory_space<hbm>> -> memref<32x512xf32, #tpu.memory_space<hbm>>
      %dma_wait3A_41 = arith.constant 0 : i32
      %dma_wait3A_42 = tpu.memref_slice %arg9[%dma_wait3A_41, %mul3A_2] : memref<32x16384xf32, #tpu.memory_space<hbm>> -> memref<32x512xf32, #tpu.memory_space<hbm>>
      tpu.wait_dma2 semaphore(%run_scoped3A : memref<!tpu.dma_semaphore, #tpu.memory_space<semaphore_mem>>) src(%arg21 : memref<32x512xf32, #tpu.memory_space<vmem>>) dst(%dma_wait3A_42 : memref<32x512xf32, #tpu.memory_space<hbm>>)
      tpu.yield
    }) : () -> ()
    "tpu.region"() ({
      %run_scoped3A = tpu.sem_alloc : memref<!tpu.dma_semaphore, #tpu.memory_space<semaphore_mem>>
      %dma_start3A_35 = arith.constant 0 : i32
      %dma_start3A_36 = tpu.memref_slice %arg10[%add3A, %dma_start3A_35] : memref<32x16xf32, #tpu.memory_space<hbm>> -> memref<1x16xf32, #tpu.memory_space<hbm>>
      %dma_start3A_37 = tpu.memref_squeeze %dma_start3A_36 : memref<1x16xf32, #tpu.memory_space<hbm>> -> memref<16xf32, #tpu.memory_space<hbm>>
      %dma_start3A_38 = arith.constant 0 : i32
      %dma_start3A_39 = tpu.memref_slice %arg10[%add3A, %dma_start3A_38] : memref<32x16xf32, #tpu.memory_space<hbm>> -> memref<1x16xf32, #tpu.memory_space<hbm>>
      %dma_start3A_40 = tpu.memref_squeeze %dma_start3A_39 : memref<1x16xf32, #tpu.memory_space<hbm>> -> memref<16xf32, #tpu.memory_space<hbm>>
      tpu.enqueue_dma source(%arg22 : memref<16xf32, #tpu.memory_space<vmem>>) target(%dma_start3A_40 : memref<16xf32, #tpu.memory_space<hbm>>) target_semaphore(%run_scoped3A : memref<!tpu.dma_semaphore, #tpu.memory_space<semaphore_mem>>)
      %dma_wait3A_41 = arith.constant 0 : i32
      %dma_wait3A_42 = tpu.memref_slice %arg10[%add3A, %dma_wait3A_41] : memref<32x16xf32, #tpu.memory_space<hbm>> -> memref<1x16xf32, #tpu.memory_space<hbm>>
      %dma_wait3A_43 = tpu.memref_squeeze %dma_wait3A_42 : memref<1x16xf32, #tpu.memory_space<hbm>> -> memref<16xf32, #tpu.memory_space<hbm>>
      %dma_wait3A_44 = arith.constant 0 : i32
      %dma_wait3A_45 = tpu.memref_slice %arg10[%add3A, %dma_wait3A_44] : memref<32x16xf32, #tpu.memory_space<hbm>> -> memref<1x16xf32, #tpu.memory_space<hbm>>
      %dma_wait3A_46 = tpu.memref_squeeze %dma_wait3A_45 : memref<1x16xf32, #tpu.memory_space<hbm>> -> memref<16xf32, #tpu.memory_space<hbm>>
      tpu.wait_dma2 semaphore(%run_scoped3A : memref<!tpu.dma_semaphore, #tpu.memory_space<semaphore_mem>>) src(%arg22 : memref<16xf32, #tpu.memory_space<vmem>>) dst(%dma_wait3A_46 : memref<16xf32, #tpu.memory_space<hbm>>)
      tpu.yield
    }) : () -> ()
    "tpu.region"() ({
      %run_scoped3A = tpu.sem_alloc : memref<!tpu.dma_semaphore, #tpu.memory_space<semaphore_mem>>
      %dma_start3A_35 = arith.constant 0 : i32
      %dma_start3A_36 = tpu.memref_slice %arg11[%add3A, %dma_start3A_35] : memref<32x16xf32, #tpu.memory_space<hbm>> -> memref<1x16xf32, #tpu.memory_space<hbm>>
      %dma_start3A_37 = tpu.memref_squeeze %dma_start3A_36 : memref<1x16xf32, #tpu.memory_space<hbm>> -> memref<16xf32, #tpu.memory_space<hbm>>
      %dma_start3A_38 = arith.constant 0 : i32
      %dma_start3A_39 = tpu.memref_slice %arg11[%add3A, %dma_start3A_38] : memref<32x16xf32, #tpu.memory_space<hbm>> -> memref<1x16xf32, #tpu.memory_space<hbm>>
      %dma_start3A_40 = tpu.memref_squeeze %dma_start3A_39 : memref<1x16xf32, #tpu.memory_space<hbm>> -> memref<16xf32, #tpu.memory_space<hbm>>
      tpu.enqueue_dma source(%arg23 : memref<16xf32, #tpu.memory_space<vmem>>) target(%dma_start3A_40 : memref<16xf32, #tpu.memory_space<hbm>>) target_semaphore(%run_scoped3A : memref<!tpu.dma_semaphore, #tpu.memory_space<semaphore_mem>>)
      %dma_wait3A_41 = arith.constant 0 : i32
      %dma_wait3A_42 = tpu.memref_slice %arg11[%add3A, %dma_wait3A_41] : memref<32x16xf32, #tpu.memory_space<hbm>> -> memref<1x16xf32, #tpu.memory_space<hbm>>
      %dma_wait3A_43 = tpu.memref_squeeze %dma_wait3A_42 : memref<1x16xf32, #tpu.memory_space<hbm>> -> memref<16xf32, #tpu.memory_space<hbm>>
      %dma_wait3A_44 = arith.constant 0 : i32
      %dma_wait3A_45 = tpu.memref_slice %arg11[%add3A, %dma_wait3A_44] : memref<32x16xf32, #tpu.memory_space<hbm>> -> memref<1x16xf32, #tpu.memory_space<hbm>>
      %dma_wait3A_46 = tpu.memref_squeeze %dma_wait3A_45 : memref<1x16xf32, #tpu.memory_space<hbm>> -> memref<16xf32, #tpu.memory_space<hbm>>
      tpu.wait_dma2 semaphore(%run_scoped3A : memref<!tpu.dma_semaphore, #tpu.memory_space<semaphore_mem>>) src(%arg23 : memref<16xf32, #tpu.memory_space<vmem>>) dst(%dma_wait3A_46 : memref<16xf32, #tpu.memory_space<hbm>>)
      tpu.yield
    }) : () -> ()
    return
  }
}

module attributes {stable_mosaic.version = 14 : i64} {
  func.func @_tc_reduce_kernel(%arg0: memref<32x16xf32, #tpu.memory_space<vmem>>, %arg1: memref<32x16xf32, #tpu.memory_space<vmem>>, %arg2: memref<1x1xf32, #tpu.memory_space<vmem>>, %arg3: memref<1x1xf32, #tpu.memory_space<vmem>>) attributes {dimension_semantics = [], scalar_prefetch = 0 : i64, scratch_operands = 0 : i64, tpu.core_type = #tpu.core_type<tc>} {
    %get3A = arith.constant 0 : index
    %get3A_0 = arith.constant 0 : index
    %get3A_1 = vector.load %arg0[%get3A, %get3A_0] : memref<32x16xf32, #tpu.memory_space<vmem>>, vector<32x16xf32>
    %reduce_sum3A = vector.shape_cast %get3A_1 : vector<32x16xf32> to vector<1x32x16xf32>
    %reduce_sum3A_2 = arith.constant dense<0.000000e+00> : vector<1xf32>
    %reduce_sum3A_3 = vector.multi_reduction <add>, %reduce_sum3A, %reduce_sum3A_2 [1, 2] : vector<1x32x16xf32> to vector<1xf32>
    %reduce_sum3A_4 = vector.shape_cast %reduce_sum3A_3 : vector<1xf32> to vector<1x1x1xf32>
    %reduce_sum3A_5 = vector.extract %reduce_sum3A_4[0, 0, 0] : f32 from vector<1x1x1xf32>
    %mul3A = arith.constant 1.90734863E-6 : f32
    %mul3A_6 = arith.mulf %reduce_sum3A_5, %mul3A : f32
    %reshape3A = vector.broadcast %mul3A_6 : f32 to vector<1x1xf32>
    %swap3A = arith.constant 0 : index
    %swap3A_7 = arith.constant 0 : index
    %swap3A_8 = vector.load %arg2[%swap3A, %swap3A_7] : memref<1x1xf32, #tpu.memory_space<vmem>>, vector<1x1xf32>
    tpu.vector_store %arg2[%swap3A, %swap3A_7], %reshape3A {strides = array<i32>} : memref<1x1xf32, #tpu.memory_space<vmem>>, vector<1x1xf32>,
    %get3A_9 = arith.constant 0 : index
    %get3A_10 = arith.constant 0 : index
    %get3A_11 = vector.load %arg1[%get3A_9, %get3A_10] : memref<32x16xf32, #tpu.memory_space<vmem>>, vector<32x16xf32>
    %reduce_sum3A_12 = vector.shape_cast %get3A_11 : vector<32x16xf32> to vector<1x32x16xf32>
    %reduce_sum3A_13 = arith.constant dense<0.000000e+00> : vector<1xf32>
    %reduce_sum3A_14 = vector.multi_reduction <add>, %reduce_sum3A_12, %reduce_sum3A_13 [1, 2] : vector<1x32x16xf32> to vector<1xf32>
    %reduce_sum3A_15 = vector.shape_cast %reduce_sum3A_14 : vector<1xf32> to vector<1x1x1xf32>
    %reduce_sum3A_16 = vector.extract %reduce_sum3A_15[0, 0, 0] : f32 from vector<1x1x1xf32>
    %mul3A_17 = arith.constant 1.90734863E-6 : f32
    %mul3A_18 = arith.mulf %reduce_sum3A_16, %mul3A_17 : f32
    %reshape3A_19 = vector.broadcast %mul3A_18 : f32 to vector<1x1xf32>
    %swap3A_20 = arith.constant 0 : index
    %swap3A_21 = arith.constant 0 : index
    %swap3A_22 = vector.load %arg3[%swap3A_20, %swap3A_21] : memref<1x1xf32, #tpu.memory_space<vmem>>, vector<1x1xf32>
    tpu.vector_store %arg3[%swap3A_20, %swap3A_21], %reshape3A_19 {strides = array<i32>} : memref<1x1xf32, #tpu.memory_space<vmem>>, vector<1x1xf32>,
    return
  }
}

</mosaic_0001>

<sc_bundles>
// kernel: kernel.4.cloned.1.call-start
scs
__scs_entry_jumppad:
0x0: {  	(pc) =	sbr.rel $0x88, $3  }
0x1: {  	(tag) =	ssettag $0x0;
	lr =	simm.s32 $0x1  }
0x2: {  	[smem:$0x3F9B] =	sst lr;
	_ =	strace $0xD0000000  }
0x3: {  	_ = 	snop  }
0x4: {  	_ = 	snop  }
0x5: {  	_ = 	snop  }
0x6: {  	_ = 	snop  }
0x7: {  	_ = 	snop  }
__scs_overlays_trampoline_lowered:
0x8: {  	[smem:$0x3FAA] =	sst s0  }
0x9: {  	[smem:$0x3FAB] =	sst s1  }
0xa: {  	[smem:$0x3FAC] =	sst s2  }
0xb: {  	[smem:$0x3FAD] =	sst s3  }
0xc: {  	[smem:$0x3FAE] =	sst s4  }
0xd: {  	[smem:$0x3FAF] =	sst s5  }
0xe: {  	[smem:$0x3FB0] =	sst s6  }
0xf: {  	[smem:$0x3FB1] =	sst s7  }
0x10: {  	[smem:$0x3FB2] =	sst s8  }
0x11: {  	[smem:$0x3FB3] =	sst s9;
	s0 =	simm.s32 @!p0 $0x0  }
0x12: {  	s1 =	sld [smem:$0x3F99];
	s0 =	simm.s32 @p0 $0x1  }
0x13: {  	[smem:$0x3FB4] =	sst s0;
	s0 =	simm.s32 @!p1 $0x0  }
0x14: {  	s2 =	sld [smem:$0x3F98];
	s0 =	simm.s32 @p1 $0x1  }
0x15: {  	[smem:$0x3FB5] =	sst s0;
	s0 =	simm.s32 @!p2 $0x0  }
0x16: {  	s3 =	sld [smem:$0x3FDB];
	s0 =	simm.s32 @p2 $0x1  }
0x17: {  	s4 =	simm.s32 $0x1BF5;
	[smem:$0x3FB7] =	sst s0  }
0x18: {  	s0 =	sld [smem:$0x3F9A];
	_ =	swait.ge [sflag:s4], $0x0  }
0x19: {  	s7 =	sld [smem:$0x3F9B]  }
0x1a: {  	s8 =	sadd.s32 $0xFFFFE003, lr  }
0x1b: {  	s9 =	sadd.s32 $0xFFFFFEF7, lr;
	s5 =	simm.s32 $0xFFFFFFFF;
	p2 =	slt.u32 s8, $0xFFFFF086  }
0x1c: {  	p1 =	slt.u32 s9, $0xF7A;
	s5 =	simm.s32 @!p2 $0x0  }
0x1d: {  	s5 =	simm.s32 @p1 $0x1;
	p0 =	seq.s32 s7, s2  }
0x1e: {  	s7 =	smul.u32 @!p0 $0xF7A, s2;
	p2 =	seq.s32 @!p0 s5, $0x0  }
0x1f: {  	s9 =	smul.u32 $0xF7A, s1;
	s8 =	simm.s32 @!p0 $0x1BF5;
	p2 =	por !p2, p0  }
0x20: {  	[sflag:s8] =	ssyncset.s32 @!p0 $0xFFFFF086;
	s6 =	sadd.s32 @!p0 s3, s7;
	s7 =	simm.s32 @!p0 $0x108  }
0x21: {  	s3 =	sadd.s32 s3, s9;
	s6 =	sadd.s32 @!p0 $0x88, s6;
	s7 =	simm.s32 @p2 $0x1082  }
0x22: {  	[simem:s7], [sflag:s8] =	dma.local @!p0 [hbm:s6], $0xF7A  }
0x23: {  	s9 =	sor.u32 $0xD0000000, s2;
	s6 =	simm.s32 $0x108;
	_ =	swait.ge @!p0 [sflag:s8], $0x0  }
0x24: {  	s3 =	sadd.s32 $0x88, s3;
	s6 =	simm.s32 @!p1 $0x1082;
	[sflag:s4] =	ssyncset.s32 $0xFFFFF086  }
0x25: {  	[simem:s6], [sflag:s4] =	dma.local [hbm:s3], $0xF7A  }
0x26: {  	[smem:$0x3F9B] =	sst s1;
	(tag) =	ssettag s2;
	_ =	strace s9  }
0x27: {  	s1 =	sld [smem:$0x3FAB]  }
0x28: {  	s2 =	sld [smem:$0x3FAC]  }
0x29: {  	s4 =	sld [smem:$0x3FAE]  }
0x2a: {  	p0 =	seq.s32 s5, $0x0;
	s5 =	sld [smem:$0x3FAF]  }
0x2b: {  	s6 =	sld [smem:$0x3FB0]  }
0x2c: {  	s7 =	sld [smem:$0x3FB1]  }
0x2d: {  	s3 =	simm.s32 $0x108;
	s8 =	sld [smem:$0x3FB2]  }
0x2e: {  	s3 =	simm.s32 @!p0 $0x1082;
	s9 =	sld [smem:$0x3FB3]  }
0x2f: {  	lr =	sadd.s32 s0, s3;
	s0 =	sld [smem:$0x3FAA]  }
0x30: {  	s3 =	sld [smem:$0x3FAD]  }
0x31: {  	[smem:$0x3FB6] =	sst s10  }
0x32: {  	s10 =	sld [smem:$0x3FB4];
	_ =	sdelay $0x3  }
0x33: {  	p0 =	seq.s32 s10, $0x1;
	s10 =	sld [smem:$0x3FB6];
	_ =	sdelay $0x3  }
0x34: {  	[smem:$0x3FB6] =	sst s10  }
0x35: {  	s10 =	sld [smem:$0x3FB5];
	_ =	sdelay $0x3  }
0x36: {  	p1 =	seq.s32 s10, $0x1;
	s10 =	sld [smem:$0x3FB6];
	_ =	sdelay $0x3  }
0x37: {  	[smem:$0x3FB6] =	sst s10  }
0x38: {  	s10 =	sld [smem:$0x3FB7]  }
0x39: {  	_ = 	snop;
	(pc) =	sbr.ind lr, $3  }
0x3a: {  	_ = 	snop  }
0x3b: {  	_ = 	snop  }
0x3c: {  	p2 =	seq.s32 s10, $0x1;
	s10 =	sld [smem:$0x3FB6]  }
0x3d: {  	_ =	shalt  }
0x3e: {  	_ =	shalt  }
0x3f: {  	_ =	shalt  }
0x40: {  	_ =	shalt  }
0x41: {  	_ =	shalt  }
0x42: {  	_ =	shalt  }
0x43: {  	_ =	shalt  }
0x44: {  	_ =	shalt  }
0x45: {  	_ =	shalt  }
0x46: {  	_ =	shalt  }
0x47: {  	_ =	shalt  }
0x48: {  	_ =	shalt  }
0x49: {  	_ =	shalt  }
0x4a: {  	_ =	shalt  }
0x4b: {  	_ =	shalt  }
0x4c: {  	_ =	shalt  }
0x4d: {  	_ =	shalt  }
0x4e: {  	_ =	shalt  }
0x4f: {  	_ =	shalt  }
0x50: {  	_ =	shalt  }
0x51: {  	_ =	shalt  }
0x52: {  	_ =	shalt  }
0x53: {  	_ =	shalt  }
0x54: {  	_ =	shalt  }
0x55: {  	_ =	shalt  }
0x56: {  	_ =	shalt  }
0x57: {  	_ =	shalt  }
0x58: {  	_ =	shalt  }
0x59: {  	_ =	shalt  }
0x5a: {  	_ =	shalt  }
0x5b: {  	_ =	shalt  }
0x5c: {  	_ =	shalt  }
0x5d: {  	_ =	shalt  }
0x5e: {  	_ =	shalt  }
0x5f: {  	_ =	shalt  }
0x60: {  	_ =	shalt  }
0x61: {  	_ =	shalt  }
0x62: {  	_ =	shalt  }
0x63: {  	_ =	shalt  }
0x64: {  	_ =	shalt  }
0x65: {  	_ =	shalt  }
0x66: {  	_ =	shalt  }
0x67: {  	_ =	shalt  }
0x68: {  	_ =	shalt  }
0x69: {  	_ =	shalt  }
0x6a: {  	_ =	shalt  }
0x6b: {  	_ =	shalt  }
0x6c: {  	_ =	shalt  }
0x6d: {  	_ =	shalt  }
0x6e: {  	_ =	shalt  }
0x6f: {  	_ =	shalt  }
0x70: {  	_ =	shalt  }
0x71: {  	_ =	shalt  }
0x72: {  	_ =	shalt  }
0x73: {  	_ =	shalt  }
0x74: {  	_ =	shalt  }
0x75: {  	_ =	shalt  }
0x76: {  	_ =	shalt  }
0x77: {  	_ =	shalt  }
0x78: {  	_ =	shalt  }
0x79: {  	_ =	shalt  }
0x7a: {  	_ =	shalt  }
0x7b: {  	_ =	shalt  }
0x7c: {  	_ =	shalt  }
0x7d: {  	_ =	shalt  }
0x7e: {  	_ =	shalt  }
0x7f: {  	_ =	shalt  }
0x80: {  	_ =	shalt  }
0x81: {  	_ =	shalt  }
0x82: {  	_ =	shalt  }
0x83: {  	_ =	shalt  }
0x84: {  	_ =	shalt  }
0x85: {  	_ =	shalt  }
0x86: {  	_ =	shalt  }
0x87: {  	_ =	shalt  }
.Lfunc_end0:
.L_simem_size_0:
called_computation_lowered:
.L_overlay_start_0:
0x88: {  	s2 =	sld [smem:$0x3FD9]  }
0x89: {  	s3 =	sld [smem:$0x3FFE];
	_ =	sdelay $0x1  }
0x8a: {  	s1 =	srdreg.scid  }
0x8b: {  	s0 =	sand.u32 $0x1, s1  }
0x8c: {  	s14 =	sshll.u32 s0, $0xA;
	s2 =	sadd.s32 s3, s2  }
0x8d: {  	s2 =	sadd.s32 s2, s14  }
0x8e: {  	[smem:$0x3FC2] =	sst s2  }
0x8f: {  	_ = 	snop  }
0x90: {  	s2 =	sld [smem:$0x3FC9]  }
0x91: {  	s15 =	sld [smem:$0x3FC8]  }
0x92: {  	s4 =	sld [smem:$0x3FC7]  }
0x93: {  	s5 =	sld [smem:$0x3FD0]  }
0x94: {  	s6 =	sld [smem:$0x3FC6]  }
0x95: {  	s7 =	sld [smem:$0x3FC5]  }
0x96: {  	s9 =	simm.s32 $0xA;
	s10 =	simm.s32 $0x10;
	s8 =	sld [smem:$0x3FC4]  }
0x97: {  	[smem:s10], [sflag:s9] =	dma.local [hbm:s5], $0x1  }
0x98: {  	_ =	swait.eq [sflag:s9], $0x1  }
0x99: {  	[sflag:s9] =	ssyncset.done $0x0  }
0x9a: {  	s16 =	sld [smem:$0x10];
	[sflag:s9] =	ssyncadd.s32 $0xFFFFFFFF  }
0x9b: {  	s17 =	sld [smem:$0x11];
	(tm) =	ssettm $0x1  }
0x9c: {  	s18 =	sld [smem:$0x3FFB];
	_ =	sdelay $0x3  }
0x9d: {  	_ =	strace s18  }
0x9e: {  	s10 =	sld [smem:$0x3FFC];
	_ =	sdelay $0x3  }
0x9f: {  	_ =	strace s10  }
0xa0: {  	s10 =	sld [smem:$0x3FFD];
	_ =	sdelay $0x3  }
0xa1: {  	_ =	strace s10  }
0xa2: {  	_ =	strace $0x8FFFFFFF  }
0xa3: {  	s19 =	sld [smem:$0x3FDB];
	_ =	sdelay $0x1  }
0xa4: {  	s11 =	simm.s32 $_scs_section_size  }
0xa5: {  	s12 =	simm.s32 $_size__tile_overlayer_lowered;
	s13 =	simm.s32 $_tile_overlayer_lowered  }
0xa6: {  	s22 =	simm.s32 $0x1BFF;
	s21 =	sshll.u32 s13, $0x1;
	s10 =	sadd.s32 s11, s19  }
0xa7: {  	s20 =	sshll.u32 s12, $0x1;
	s14 =	simm.s32 $0x0;
	s12 =	sadd.s32 s21, s10  }
0xa8: {  	[timem:s14], [sflag:s22] =	dma.local [hbm:s12], s20  }
0xa9: {  	_ =	swait.ge [sflag:s22], s20  }
0xaa: {  	s11 =	ssub.s32 $0x0, s20;
	[sflag:s22] =	ssyncset.done $0x0  }
0xab: {  	[sflag:s22] =	ssyncadd.s32 s11;
	_ =	sdelay $0x1  }
0xac: {  	s23 =	simm.s32 $0x1B8B  }
0xad: {  	_ =	swait.ge [sflag:s23], $0x1  }
0xae: {  	[sflag:s23] =	ssyncset.done $0x0  }
0xaf: {  	s25 =	simm.s32 $0x1B8E;
	s24 =	sld [smem:$0x3FFE];
	[sflag:s23] =	ssyncadd.s32 $0xFFFFFFFF  }
0xb0: {  	s26 =	simm.s32 $execute0_lowered;
	[smem:$0x3FD2] =	sst s25  }
0xb1: {  	s12 =	sshll.u32 s26, $0x1;
	_ =	strace $0x80000046;
	[dreg:$0x1] =	wrdreg $0xFFFFFFFF  }
0xb2: {  	s28 =	simm.s32 $_size_execute0_lowered;
	s10 =	sadd.s32 s10, s12;
	[dreg:$0x0] =	wrdreg $0x0  }
0xb3: {  	s12 =	sshll.u32 s28, $0x1;
	[dreg:$0x2] =	wrdreg s10  }
0xb4: {  	[dreg:$0x3] =	wrdreg s12  }
0xb5: {  	[dreg:$0x4] =	wrdreg $0xC0  }
0xb6: {  	_ =	task [dreg:s14], $0x5FFFF  }
0xb7: {  	[dreg:$0x1] =	wrdreg $0xFFFFFFFF  }
0xb8: {  	[dreg:$0x0] =	wrdreg $0x60  }
0xb9: {  	[dreg:$0x2] =	wrdreg s7  }
0xba: {  	[dreg:$0x3] =	wrdreg s8  }
0xbb: {  	[dreg:$0x4] =	wrdreg s2  }
0xbc: {  	[dreg:$0x5] =	wrdreg s15  }
0xbd: {  	[dreg:$0x6] =	wrdreg s4  }
0xbe: {  	[dreg:$0x7] =	wrdreg s6  }
0xbf: {  	[dreg:$0x8] =	wrdreg s16  }
0xc0: {  	[dreg:$0x9] =	wrdreg s17  }
0xc1: {  	[dreg:$0xa] =	wrdreg s24  }
0xc2: {  	[dreg:$0xb] =	wrdreg $0x9  }
0xc3: {  	_ =	task.clear_ibuf [dreg:s14], $0xCFFFF;
	_ =	strace $0x90000046  }
0xc4: {  	s29 =	simm.s32 $0x9;
	_ =	strace $0x80000048  }
0xc5: {  	_ =	swait.ge [sflag:s29], $0x1  }
0xc6: {  	[sflag:s29] =	ssyncadd.s32 $0xFFFFFFFF  }
0xc7: {  	_ =	strace $0x90000048  }
0xc8: {  	_ =	sfence  }
0xc9: {  	s30 =	sld [smem:$0x0];
	_ =	sdelay $0x2  }
0xca: {  	s31 =	sshll.u32 s1, $0xD;
	s1 =	sshrl.u32 s1, $0x2  }
0xcb: {  	s3 =	sand.u32 $0x4000, s31;
	s1 =	sadd.s32 s1, s30  }
0xcc: {  	s0 =	sor.u32 s3, s0;
	s1 =	sshll.u32 s1, $0x11  }
0xcd: {  	s0 =	sor.u32 s1, s0  }
0xce: {  	s0 =	sadd.s32 $0x8F2B, s0  }
0xcf: {  	[sflag:s0] =	ssyncadd.remote.s32 $0x1  }
0xd0: {  	_ =	sfence.sel $0xFFFF  }
0xd1: {  	[dreg:$0x0] =	wrdreg $0xFFFFFFFF;
	(pc) =	sbr.abs _section_cstart, $3  }
0xd2: {  	[dreg:$0x1] =	wrdreg $0xFFFFFFFF  }
0xd3: {  	_ =	task.clear_ibuf [dreg:s14], $0x2FFFF;
	_ =	strace $0x9FFFFFFF  }
0xd4: {  	(tm) =	ssettm $0x7FFFFFFF  }
0xd5: {  	_ =	shalt  }
tec
execute0_lowered:
.L_overlay_start_1:
0x0: {  	(tag) =	ssettag $0x1  }
0x1: {  	s0 =	rddreg [dreg:$0x0]  }
0x2: {  	s1 =	rddreg [dreg:$0x1]  }
0x3: {  	s2 =	rddreg [dreg:$0x2]  }
0x4: {  	s3 =	rddreg [dreg:$0x3]  }
0x5: {  	s5 =	rddreg [dreg:$0x4]  }
0x6: {  	s6 =	rddreg [dreg:$0x5]  }
0x7: {  	s7 =	rddreg [dreg:$0x6]  }
0x8: {  	s8 =	rddreg [dreg:$0x7]  }
0x9: {  	s9 =	rddreg [dreg:$0x8];
	v2 =	vimm.s32 $0x1380;
	vm0 =	vcmask $0x300;
	v3 =	vimm.s32 $0x3380  }
0xa: {  	s10 =	srdreg.scid;
	s11 =	stileid.u32;
	vm1 =	vcmask $0x704;
	s4 =	simm.s32 $0x0;
	vm15 =	vcmask $0xB08;
	vm4 =	vcmask $0xF0C  }
0xb: {  	vm5 =	vcmask $0x1310;
	s14 =	simm.s32 $0x1000;
	s15 =	simm.s32 $0x20000;
	s16 =	simm.s32 $0x6;
	v2 =	vsel vm0, $0x0, v2;
	v3 =	vsel vm0, $0x2000, v3  }
0xc: {  	v0 =	vlaneseq.u32;
	s18 =	simm.s32 $0x7A1400;
	s19 =	simm.s32 $0x10400;
	s20 =	simm.s32 $0x400;
	v2 =	vsel vm1, $0x80, v2;
	v3 =	vsel vm1, $0x2080, v3  }
0xd: {  	vm6 =	vcmask $0x1714;
	s28 =	simm.s32 $0x8400;
	s10 =	sand.u32 $0x1, s10;
	s11 =	sshll.u32 s11, $0x1;
	v2 =	vsel vm15, $0x100, v2;
	v3 =	vsel vm15, $0x2100, v3  }
0xe: {  	vm7 =	vcmask $0x1B18;
	s29 =	simm.s32 $0x2;
	s30 =	simm.s32 $0x4;
	s11 =	sor.u32 s10, s11;
	v2 =	vsel vm4, $0x180, v2;
	v3 =	vsel vm4, $0x2180, v3  }
0xf: {  	vm8 =	vcmask $0x1F1C;
	s31 =	simm.s32 $0x5;
	[smem:$0x7FF] =	sst s4;
	s21 =	sshll.u32 s11, $0x6;
	v2 =	vsel vm5, $0x200, v2;
	v3 =	vsel vm5, $0x2200, v3  }
0x10: {  	vm9 =	vcmask $0x2320;
	_ =	strace $0x80000047;
	s12 =	sshll.u32 s11, $0x4;
	s2 =	sadd.s32 s2, s21;
	v2 =	vsel vm6, $0x280, v2;
	v3 =	vsel vm6, $0x2280, v3  }
0x11: {  	vm10 =	vcmask $0x2724;
	s11 =	sshll.u32 s11, $0x9;
	s22 =	sadd.s32 s3, s21;
	[dreg:$0xa] =	wrdreg s2;
	v2 =	vsel vm7, $0x300, v2;
	v3 =	vsel vm7, $0x2300, v3  }
0x12: {  	vm11 =	vcmask $0x2B28;
	s10 =	ssub.s32 $0x2, s10;
	s23 =	sadd.s32 s5, s11;
	[dreg:$0xb] =	wrdreg s22;
	v2 =	vsel vm8, $0x380, v2;
	v3 =	vsel vm8, $0x2380, v3  }
0x13: {  	vm12 =	vcmask $0x2F2C;
	s13 =	sshrl.u32 s10, $0x1;
	s24 =	sadd.s32 s6, s11;
	[dreg:$0xc] =	wrdreg s23;
	v2 =	vsel vm9, $0x1000, v2;
	v3 =	vsel vm9, $0x3000, v3  }
0x14: {  	vm13 =	vcmask $0x3330;
	s9 =	sadd.s32 s12, s9;
	s25 =	sadd.s32 s7, s11;
	[dreg:$0xd] =	wrdreg s24;
	v2 =	vsel vm10, $0x1080, v2;
	v3 =	vsel vm10, $0x3080, v3  }
0x15: {  	vm14 =	vcmask $0x3734;
	s13 =	ssub.s32 s10, s13;
	s26 =	sadd.s32 s8, s11;
	[dreg:$0xe] =	wrdreg s25;
	v2 =	vsel vm11, $0x1100, v2;
	v3 =	vsel vm11, $0x3100, v3  }
0x16: {  	v4 =	vimm.f32 $0.0e+00;
	s6 =	simm.s32 $0xC400;
	s21 =	simm.s32 $0x2400;
	[dreg:$0xf] =	wrdreg s26;
	v2 =	vsel vm12, $0x1180, v2;
	v3 =	vsel vm12, $0x3180, v3  }
0x17: {  	v0 =	vmul.u32 $0x80, v0;
	s11 =	sadd.s32 $0xE00, s9;
	s12 =	sadd.s32 $0x1000, s9;
	s13 =	smax.u32 s13, $0x1;
	v2 =	vsel vm13, $0x1200, v2;
	v3 =	vsel vm13, $0x3200, v3  }
0x18: {  	vm15 =	vcmask $0x3B38;
	s22 =	simm.s32 $0x1400;
	s23 =	simm.s32 $0x3400;
	s24 =	simm.s32 $0x1;
	v2 =	vsel vm14, $0x1280, v2;
	v3 =	vsel vm14, $0x3280, v3  }
0x19: {  	v1 =	vor.u32 $0x800, v0;
	s25 =	simm.s32 $0x3;
	s26 =	simm.s32 $0x4400;
	s2 =	simm.s32 $0x0;
	v2 =	vsel vm15, $0x1300, v2;
	v3 =	vsel vm15, $0x3300, v3  }
.LBB2_1:
0x1a: {  	s3 =	rddreg [dreg:$0xa]  }
0x1b: {  	[tilespmem:s4], [sflag:$0x6] =	stream.linear.gather [hbm4b:s3+s4], $0x200, $0x38;
	[tilespmem:$0x14500] =	vst v63  }
0x1c: {  	_ =	swait.ge [sflag:s16], $0x200  }
0x1d: {  	[sflag:s16] =	ssyncset.done $0x0  }
0x1e: {  	s3 =	simm.s32 $0x200;
	s5 =	rddreg [dreg:$0xb];
	[sflag:s16] =	ssyncadd.s32 $0xFFFFFE00  }
0x1f: {  	[tilespmem:s3], [sflag:$0x6] =	stream.linear.gather [hbm4b:s5+s4], $0x200, $0x38;
	[tilespmem:$0x14500] =	vst v63  }
0x20: {  	_ =	swait.ge [sflag:s16], $0x200  }
0x21: {  	[sflag:s16] =	ssyncset.done $0x0  }
0x22: {  	s10 =	rddreg [dreg:$0xc];
	[sflag:s16] =	ssyncadd.s32 $0xFFFFFE00  }
0x23: {  	[tilespmem:s6], [sflag:$0x5] =	stream.strided.gather [hbm4b:s10+s14], $0x4000, s15, s14, $0x38;
	[tilespmem:$0x14500] =	vst v63  }
0x24: {  	s5 =	simm.s32 $0xF;
	s17 =	rddreg [dreg:$0xd];
	s6 =	simm.s32 $0x0  }
0x25: {  	[tilespmem:s19], [sflag:$0x5] =	stream.strided.gather [hbm4b:s17+s14], $0x4000, s15, s14, $0x38;
	[tilespmem:$0x14500] =	vst v63  }
.LBB2_2:
0x26: {  	v6 =	vld [tilespmem:s6+$0x0]  }
0x27: {  	v5 =	vld [tilespmem:s3+$0x0];
	_ =	sdelay $0x3  }
0x28: {  	(v2sf) =	vpush v6, $0x0  }
0x29: {  	(v2sf) =	vpush v5, $0x0  }
0x2a: {  	(v2sf) =	vpush v6, $0x1;
	_ =	sdelay $0x3  }
0x2b: {  	(v2sf) =	vpush v5, $0x1;
	_ =	sdelay $0x8  }
0x2c: {  	s8 =	spop (v2sf)  }
0x2d: {  	s7 =	sand.u32 $0xFFFFF80, s8;
	s9 =	spop (v2sf)  }
0x2e: {  	s7 =	sadd.s32 s0, s7;
	s17 =	sand.u32 $0xFFFFF80, s9;
	s10 =	spop (v2sf)  }
0x2f: {  	[tilespmem:s20], [sflag:$0x1] =	stream.strided.gather [hbm4b:s7+s20], $0x1000, s18, s20, $0x38;
	[tilespmem:$0x14500] =	vst v63  }
0x30: {  	s7 =	sadd.s32 s1, s17;
	s17 =	sand.u32 $0xFFFFF80, s10  }
0x31: {  	[tilespmem:s21], [sflag:$0x3] =	stream.strided.gather [hbm4b:s7+s20], $0x1000, s18, s20, $0x38;
	[tilespmem:$0x14500] =	vst v63  }
0x32: {  	s17 =	sadd.s32 s0, s17;
	s7 =	spop (v2sf)  }
0x33: {  	[tilespmem:s22], [sflag:$0x2] =	stream.strided.gather [hbm4b:s17+s20], $0x1000, s18, s20, $0x38;
	[tilespmem:$0x14500] =	vst v63  }
0x34: {  	s17 =	sand.u32 $0xFFFFF80, s7  }
0x35: {  	s17 =	sadd.s32 s1, s17  }
0x36: {  	[tilespmem:s23], [sflag:$0x4] =	stream.strided.gather [hbm4b:s17+s20], $0x1000, s18, s20, $0x38;
	[tilespmem:$0x14500] =	vst v63  }
0x37: {  	_ =	swait.ge [sflag:s24], $0x1000  }
0x38: {  	[sflag:s24] =	ssyncset.done $0x0  }
0x39: {  	s8 =	sand.u32 $0x7F, s8;
	[sflag:s24] =	ssyncadd.s32 $0xFFFFF000  }
0x3a: {  	v7 =	vor.u32 s8, v0;
	s17 =	sadd.s32 $0xFFFFFFF1, s5;
	_ =	swait.ge [sflag:s25], $0x1000  }
0x3b: {  	v9 =	vor.u32 s8, v1;
	v8 =	vmov s17;
	(v2sf) =	vpush v6, $0x2  }
0x3c: {  	v10 =	vshll.u32 v8, $0x3  }
0x3d: {  	v8 =	vand.u32 $0x70, v8;
	v10 =	vand.u32 $0xC00, v10;
	[sflag:s25] =	ssyncset.done $0x0;
	(v2sf) =	vpush v5, $0x2  }
0x3e: {  	v8 =	vor.u32 v8, v10;
	[sflag:s25] =	ssyncadd.s32 $0xFFFFF000  }
0x3f: {  	v10 =	vor.u32 v2, v8;
	v7 =	vld.idx.msk [tilespmem:v7+s20+$0x0], $0xffff  }
0x40: {  	s9 =	sand.u32 $0x7F, s9;
	v8 =	vor.u32 v3, v8;
	v9 =	vld.idx.msk [tilespmem:v9+s20+$0x0], $0xffff  }
0x41: {  	v11 =	vor.u32 s9, v0  }
0x42: {  	v12 =	vor.u32 s9, v1;
	_ =	sdelay $0x1  }
0x43: {  	[tilespmem:v10+s26+$0x0] =	vst.idx.msk $0xffff, v7  }
0x44: {  	[tilespmem:v8+s26+$0x0] =	vst.idx.msk $0xffff, v9  }
0x45: {  	v7 =	vld.idx.msk [tilespmem:v11+s21+$0x0], $0xffff  }
0x46: {  	v9 =	vld.idx.msk [tilespmem:v12+s21+$0x0], $0xffff;
	_ =	sdelay $0x2  }
0x47: {  	s9 =	spop (v2sf)  }
0x48: {  	[tilespmem:v10+s28+$0x0] =	vst.idx.msk $0xffff, v7;
	s17 =	sand.u32 $0xFFFFF80, s9  }
0x49: {  	[tilespmem:v8+s28+$0x0] =	vst.idx.msk $0xffff, v9;
	s8 =	spop (v2sf);
	s17 =	sadd.s32 s0, s17  }
0x4a: {  	[tilespmem:s20], [sflag:$0x1] =	stream.strided.gather [hbm4b:s17+s20], $0x1000, s18, s20, $0x38;
	[tilespmem:$0x14500] =	vst v63  }
0x4b: {  	s17 =	sand.u32 $0xFFFFF80, s8  }
0x4c: {  	s17 =	sadd.s32 s1, s17  }
0x4d: {  	[tilespmem:s21], [sflag:$0x3] =	stream.strided.gather [hbm4b:s17+s20], $0x1000, s18, s20, $0x38;
	[tilespmem:$0x14500] =	vst v63  }
0x4e: {  	_ =	swait.ge [sflag:s29], $0x1000  }
0x4f: {  	[sflag:s29] =	ssyncset.done $0x0  }
0x50: {  	s10 =	sand.u32 $0x7F, s10;
	[sflag:s29] =	ssyncadd.s32 $0xFFFFF000  }
0x51: {  	v7 =	vor.u32 s10, v0;
	s17 =	sadd.s32 $0xFFFFFFF2, s5;
	_ =	swait.ge [sflag:s30], $0x1000  }
0x52: {  	v45 =	vor.u32 s10, v1;
	v44 =	vmov s17;
	(v2sf) =	vpush v6, $0x3  }
0x53: {  	v46 =	vshll.u32 v44, $0x3  }
0x54: {  	v8 =	vand.u32 $0x71, v44;
	v10 =	vand.u32 $0xC00, v46;
	[sflag:s30] =	ssyncset.done $0x0;
	(v2sf) =	vpush v5, $0x3  }
0x55: {  	v8 =	vor.u32 v8, v10;
	[sflag:s30] =	ssyncadd.s32 $0xFFFFF000  }
0x56: {  	v10 =	vor.u32 v2, v8;
	v7 =	vld.idx.msk [tilespmem:v7+s22+$0x0], $0xffff  }
0x57: {  	s7 =	sand.u32 $0x7F, s7;
	v8 =	vor.u32 v3, v8;
	v9 =	vld.idx.msk [tilespmem:v45+s22+$0x0], $0xffff  }
0x58: {  	v47 =	vor.u32 s7, v0  }
0x59: {  	v48 =	vor.u32 s7, v1;
	_ =	sdelay $0x1  }
0x5a: {  	[tilespmem:v10+s26+$0x0] =	vst.idx.msk $0xffff, v7  }
0x5b: {  	[tilespmem:v8+s26+$0x0] =	vst.idx.msk $0xffff, v9  }
0x5c: {  	v7 =	vld.idx.msk [tilespmem:v47+s23+$0x0], $0xffff  }
0x5d: {  	v9 =	vld.idx.msk [tilespmem:v48+s23+$0x0], $0xffff;
	_ =	sdelay $0x2  }
0x5e: {  	s10 =	spop (v2sf)  }
0x5f: {  	[tilespmem:v10+s28+$0x0] =	vst.idx.msk $0xffff, v7;
	s17 =	sand.u32 $0xFFFFF80, s10  }
0x60: {  	[tilespmem:v8+s28+$0x0] =	vst.idx.msk $0xffff, v9;
	s7 =	spop (v2sf);
	s17 =	sadd.s32 s0, s17  }
0x61: {  	[tilespmem:s22], [sflag:$0x2] =	stream.strided.gather [hbm4b:s17+s20], $0x1000, s18, s20, $0x38;
	[tilespmem:$0x14500] =	vst v63  }
0x62: {  	s17 =	sand.u32 $0xFFFFF80, s7  }
0x63: {  	s17 =	sadd.s32 s1, s17  }
0x64: {  	[tilespmem:s23], [sflag:$0x4] =	stream.strided.gather [hbm4b:s17+s20], $0x1000, s18, s20, $0x38;
	[tilespmem:$0x14500] =	vst v63  }
0x65: {  	_ =	swait.ge [sflag:s24], $0x1000  }
0x66: {  	[sflag:s24] =	ssyncset.done $0x0  }
0x67: {  	s9 =	sand.u32 $0x7F, s9;
	[sflag:s24] =	ssyncadd.s32 $0xFFFFF000  }
0x68: {  	v7 =	vor.u32 s9, v0;
	s17 =	sadd.s32 $0xFFFFFFF3, s5;
	_ =	swait.ge [sflag:s25], $0x1000  }
0x69: {  	v50 =	vor.u32 s9, v1;
	v49 =	vmov s17;
	(v2sf) =	vpush v6, $0x4  }
0x6a: {  	v51 =	vshll.u32 v49, $0x3  }
0x6b: {  	v8 =	vand.u32 $0x72, v49;
	v10 =	vand.u32 $0xC00, v51;
	[sflag:s25] =	ssyncset.done $0x0;
	(v2sf) =	vpush v5, $0x4  }
0x6c: {  	v8 =	vor.u32 v8, v10;
	[sflag:s25] =	ssyncadd.s32 $0xFFFFF000  }
0x6d: {  	v10 =	vor.u32 v2, v8;
	v7 =	vld.idx.msk [tilespmem:v7+s20+$0x0], $0xffff  }
0x6e: {  	s8 =	sand.u32 $0x7F, s8;
	v8 =	vor.u32 v3, v8;
	v9 =	vld.idx.msk [tilespmem:v50+s20+$0x0], $0xffff  }
0x6f: {  	v52 =	vor.u32 s8, v0  }
0x70: {  	v53 =	vor.u32 s8, v1;
	_ =	sdelay $0x1  }
0x71: {  	[tilespmem:v10+s26+$0x0] =	vst.idx.msk $0xffff, v7  }
0x72: {  	[tilespmem:v8+s26+$0x0] =	vst.idx.msk $0xffff, v9  }
0x73: {  	v7 =	vld.idx.msk [tilespmem:v52+s21+$0x0], $0xffff  }
0x74: {  	v9 =	vld.idx.msk [tilespmem:v53+s21+$0x0], $0xffff;
	_ =	sdelay $0x2  }
0x75: {  	s9 =	spop (v2sf)  }
0x76: {  	[tilespmem:v10+s28+$0x0] =	vst.idx.msk $0xffff, v7;
	s17 =	sand.u32 $0xFFFFF80, s9  }
0x77: {  	[tilespmem:v8+s28+$0x0] =	vst.idx.msk $0xffff, v9;
	s8 =	spop (v2sf);
	s17 =	sadd.s32 s0, s17  }
0x78: {  	[tilespmem:s20], [sflag:$0x1] =	stream.strided.gather [hbm4b:s17+s20], $0x1000, s18, s20, $0x38;
	[tilespmem:$0x14500] =	vst v63  }
0x79: {  	s17 =	sand.u32 $0xFFFFF80, s8  }
0x7a: {  	s17 =	sadd.s32 s1, s17  }
0x7b: {  	[tilespmem:s21], [sflag:$0x3] =	stream.strided.gather [hbm4b:s17+s20], $0x1000, s18, s20, $0x38;
	[tilespmem:$0x14500] =	vst v63  }
0x7c: {  	_ =	swait.ge [sflag:s29], $0x1000  }
0x7d: {  	[sflag:s29] =	ssyncset.done $0x0  }
0x7e: {  	s10 =	sand.u32 $0x7F, s10;
	[sflag:s29] =	ssyncadd.s32 $0xFFFFF000  }
0x7f: {  	v7 =	vor.u32 s10, v0;
	s17 =	sadd.s32 $0xFFFFFFF4, s5;
	_ =	swait.ge [sflag:s30], $0x1000  }
0x80: {  	v55 =	vor.u32 s10, v1;
	v54 =	vmov s17;
	(v2sf) =	vpush v6, $0x5  }
0x81: {  	v56 =	vshll.u32 v54, $0x3  }
0x82: {  	v8 =	vand.u32 $0x73, v54;
	v10 =	vand.u32 $0xC00, v56;
	[sflag:s30] =	ssyncset.done $0x0;
	(v2sf) =	vpush v5, $0x5  }
0x83: {  	v8 =	vor.u32 v8, v10;
	[sflag:s30] =	ssyncadd.s32 $0xFFFFF000  }
0x84: {  	v10 =	vor.u32 v2, v8;
	v7 =	vld.idx.msk [tilespmem:v7+s22+$0x0], $0xffff  }
0x85: {  	s7 =	sand.u32 $0x7F, s7;
	v8 =	vor.u32 v3, v8;
	v9 =	vld.idx.msk [tilespmem:v55+s22+$0x0], $0xffff  }
0x86: {  	v57 =	vor.u32 s7, v0  }
0x87: {  	v58 =	vor.u32 s7, v1;
	_ =	sdelay $0x1  }
0x88: {  	[tilespmem:v10+s26+$0x0] =	vst.idx.msk $0xffff, v7  }
0x89: {  	[tilespmem:v8+s26+$0x0] =	vst.idx.msk $0xffff, v9  }
0x8a: {  	v7 =	vld.idx.msk [tilespmem:v57+s23+$0x0], $0xffff  }
0x8b: {  	v9 =	vld.idx.msk [tilespmem:v58+s23+$0x0], $0xffff;
	_ =	sdelay $0x2  }
0x8c: {  	s10 =	spop (v2sf)  }
0x8d: {  	[tilespmem:v10+s28+$0x0] =	vst.idx.msk $0xffff, v7;
	s17 =	sand.u32 $0xFFFFF80, s10  }
0x8e: {  	[tilespmem:v8+s28+$0x0] =	vst.idx.msk $0xffff, v9;
	s7 =	spop (v2sf);
	s17 =	sadd.s32 s0, s17  }
0x8f: {  	[tilespmem:s22], [sflag:$0x2] =	stream.strided.gather [hbm4b:s17+s20], $0x1000, s18, s20, $0x38;
	[tilespmem:$0x14500] =	vst v63  }
0x90: {  	s17 =	sand.u32 $0xFFFFF80, s7  }
0x91: {  	s17 =	sadd.s32 s1, s17  }
0x92: {  	[tilespmem:s23], [sflag:$0x4] =	stream.strided.gather [hbm4b:s17+s20], $0x1000, s18, s20, $0x38;
	[tilespmem:$0x14500] =	vst v63  }
0x93: {  	_ =	swait.ge [sflag:s24], $0x1000  }
0x94: {  	[sflag:s24] =	ssyncset.done $0x0  }
0x95: {  	s9 =	sand.u32 $0x7F, s9;
	[sflag:s24] =	ssyncadd.s32 $0xFFFFF000  }
0x96: {  	v7 =	vor.u32 s9, v0;
	s17 =	sadd.s32 $0xFFFFFFF5, s5;
	_ =	swait.ge [sflag:s25], $0x1000  }
0x97: {  	v60 =	vor.u32 s9, v1;
	v59 =	vmov s17;
	(v2sf) =	vpush v6, $0x6  }
0x98: {  	v61 =	vshll.u32 v59, $0x3  }
0x99: {  	v8 =	vand.u32 $0x74, v59;
	v10 =	vand.u32 $0xC00, v61;
	[sflag:s25] =	ssyncset.done $0x0;
	(v2sf) =	vpush v5, $0x6  }
0x9a: {  	v8 =	vor.u32 v8, v10;
	[sflag:s25] =	ssyncadd.s32 $0xFFFFF000  }
0x9b: {  	v10 =	vor.u32 v2, v8;
	v7 =	vld.idx.msk [tilespmem:v7+s20+$0x0], $0xffff  }
0x9c: {  	s8 =	sand.u32 $0x7F, s8;
	v8 =	vor.u32 v3, v8;
	v9 =	vld.idx.msk [tilespmem:v60+s20+$0x0], $0xffff  }
0x9d: {  	v62 =	vor.u32 s8, v0  }
0x9e: {  	v63 =	vor.u32 s8, v1;
	_ =	sdelay $0x1  }
0x9f: {  	[tilespmem:v10+s26+$0x0] =	vst.idx.msk $0xffff, v7  }
0xa0: {  	[tilespmem:v8+s26+$0x0] =	vst.idx.msk $0xffff, v9  }
0xa1: {  	v7 =	vld.idx.msk [tilespmem:v62+s21+$0x0], $0xffff  }
0xa2: {  	v9 =	vld.idx.msk [tilespmem:v63+s21+$0x0], $0xffff;
	_ =	sdelay $0x2  }
0xa3: {  	s9 =	spop (v2sf)  }
0xa4: {  	[tilespmem:v10+s28+$0x0] =	vst.idx.msk $0xffff, v7;
	s17 =	sand.u32 $0xFFFFF80, s9  }
0xa5: {  	[tilespmem:v8+s28+$0x0] =	vst.idx.msk $0xffff, v9;
	s8 =	spop (v2sf);
	s17 =	sadd.s32 s0, s17  }
0xa6: {  	[tilespmem:s20], [sflag:$0x1] =	stream.strided.gather [hbm4b:s17+s20], $0x1000, s18, s20, $0x38;
	[tilespmem:$0x14500] =	vst v63  }
0xa7: {  	s17 =	sand.u32 $0xFFFFF80, s8  }
0xa8: {  	s17 =	sadd.s32 s1, s17  }
0xa9: {  	[tilespmem:s21], [sflag:$0x3] =	stream.strided.gather [hbm4b:s17+s20], $0x1000, s18, s20, $0x38;
	[tilespmem:$0x14500] =	vst v63  }
0xaa: {  	_ =	swait.ge [sflag:s29], $0x1000  }
0xab: {  	[sflag:s29] =	ssyncset.done $0x0  }
0xac: {  	s10 =	sand.u32 $0x7F, s10;
	[sflag:s29] =	ssyncadd.s32 $0xFFFFF000  }
0xad: {  	v7 =	vor.u32 s10, v0;
	s17 =	sadd.s32 $0xFFFFFFF6, s5;
	_ =	swait.ge [sflag:s30], $0x1000  }
0xae: {  	v14 =	vor.u32 s10, v1;
	v13 =	vmov s17;
	(v2sf) =	vpush v6, $0x7  }
0xaf: {  	v15 =	vshll.u32 v13, $0x3  }
0xb0: {  	v8 =	vand.u32 $0x75, v13;
	v10 =	vand.u32 $0xC00, v15;
	[sflag:s30] =	ssyncset.done $0x0;
	(v2sf) =	vpush v5, $0x7  }
0xb1: {  	v8 =	vor.u32 v8, v10;
	[sflag:s30] =	ssyncadd.s32 $0xFFFFF000  }
0xb2: {  	v10 =	vor.u32 v2, v8;
	v7 =	vld.idx.msk [tilespmem:v7+s22+$0x0], $0xffff  }
0xb3: {  	s7 =	sand.u32 $0x7F, s7;
	v8 =	vor.u32 v3, v8;
	v9 =	vld.idx.msk [tilespmem:v14+s22+$0x0], $0xffff  }
0xb4: {  	v16 =	vor.u32 s7, v0  }
0xb5: {  	v17 =	vor.u32 s7, v1;
	_ =	sdelay $0x1  }
0xb6: {  	[tilespmem:v10+s26+$0x0] =	vst.idx.msk $0xffff, v7  }
0xb7: {  	[tilespmem:v8+s26+$0x0] =	vst.idx.msk $0xffff, v9  }
0xb8: {  	v7 =	vld.idx.msk [tilespmem:v16+s23+$0x0], $0xffff  }
0xb9: {  	v9 =	vld.idx.msk [tilespmem:v17+s23+$0x0], $0xffff;
	_ =	sdelay $0x2  }
0xba: {  	s10 =	spop (v2sf)  }
0xbb: {  	[tilespmem:v10+s28+$0x0] =	vst.idx.msk $0xffff, v7;
	s17 =	sand.u32 $0xFFFFF80, s10  }
0xbc: {  	[tilespmem:v8+s28+$0x0] =	vst.idx.msk $0xffff, v9;
	s7 =	spop (v2sf);
	s17 =	sadd.s32 s0, s17  }
0xbd: {  	[tilespmem:s22], [sflag:$0x2] =	stream.strided.gather [hbm4b:s17+s20], $0x1000, s18, s20, $0x38;
	[tilespmem:$0x14500] =	vst v63  }
0xbe: {  	s17 =	sand.u32 $0xFFFFF80, s7  }
0xbf: {  	s17 =	sadd.s32 s1, s17  }
0xc0: {  	[tilespmem:s23], [sflag:$0x4] =	stream.strided.gather [hbm4b:s17+s20], $0x1000, s18, s20, $0x38;
	[tilespmem:$0x14500] =	vst v63  }
0xc1: {  	_ =	swait.ge [sflag:s24], $0x1000  }
0xc2: {  	[sflag:s24] =	ssyncset.done $0x0  }
0xc3: {  	s9 =	sand.u32 $0x7F, s9;
	[sflag:s24] =	ssyncadd.s32 $0xFFFFF000  }
0xc4: {  	v7 =	vor.u32 s9, v0;
	s17 =	sadd.s32 $0xFFFFFFF7, s5;
	_ =	swait.ge [sflag:s25], $0x1000  }
0xc5: {  	v19 =	vor.u32 s9, v1;
	v18 =	vmov s17;
	(v2sf) =	vpush v6, $0x8  }
0xc6: {  	v20 =	vshll.u32 v18, $0x3  }
0xc7: {  	v8 =	vand.u32 $0x76, v18;
	v10 =	vand.u32 $0xC00, v20;
	[sflag:s25] =	ssyncset.done $0x0;
	(v2sf) =	vpush v5, $0x8  }
0xc8: {  	v8 =	vor.u32 v8, v10;
	[sflag:s25] =	ssyncadd.s32 $0xFFFFF000  }
0xc9: {  	v10 =	vor.u32 v2, v8;
	v7 =	vld.idx.msk [tilespmem:v7+s20+$0x0], $0xffff  }
0xca: {  	s8 =	sand.u32 $0x7F, s8;
	v8 =	vor.u32 v3, v8;
	v9 =	vld.idx.msk [tilespmem:v19+s20+$0x0], $0xffff  }
0xcb: {  	v21 =	vor.u32 s8, v0  }
0xcc: {  	v22 =	vor.u32 s8, v1;
	_ =	sdelay $0x1  }
0xcd: {  	[tilespmem:v10+s26+$0x0] =	vst.idx.msk $0xffff, v7  }
0xce: {  	[tilespmem:v8+s26+$0x0] =	vst.idx.msk $0xffff, v9  }
0xcf: {  	v7 =	vld.idx.msk [tilespmem:v21+s21+$0x0], $0xffff  }
0xd0: {  	v9 =	vld.idx.msk [tilespmem:v22+s21+$0x0], $0xffff;
	_ =	sdelay $0x2  }
0xd1: {  	s9 =	spop (v2sf)  }
0xd2: {  	[tilespmem:v10+s28+$0x0] =	vst.idx.msk $0xffff, v7;
	s17 =	sand.u32 $0xFFFFF80, s9  }
0xd3: {  	[tilespmem:v8+s28+$0x0] =	vst.idx.msk $0xffff, v9;
	s8 =	spop (v2sf);
	s17 =	sadd.s32 s0, s17  }
0xd4: {  	[tilespmem:s20], [sflag:$0x1] =	stream.strided.gather [hbm4b:s17+s20], $0x1000, s18, s20, $0x38;
	[tilespmem:$0x14500] =	vst v63  }
0xd5: {  	s17 =	sand.u32 $0xFFFFF80, s8  }
0xd6: {  	s17 =	sadd.s32 s1, s17  }
0xd7: {  	[tilespmem:s21], [sflag:$0x3] =	stream.strided.gather [hbm4b:s17+s20], $0x1000, s18, s20, $0x38;
	[tilespmem:$0x14500] =	vst v63  }
0xd8: {  	_ =	swait.ge [sflag:s29], $0x1000  }
0xd9: {  	[sflag:s29] =	ssyncset.done $0x0  }
0xda: {  	s10 =	sand.u32 $0x7F, s10;
	[sflag:s29] =	ssyncadd.s32 $0xFFFFF000  }
0xdb: {  	v7 =	vor.u32 s10, v0;
	s17 =	sadd.s32 $0xFFFFFFF8, s5;
	_ =	swait.ge [sflag:s30], $0x1000  }
0xdc: {  	v24 =	vor.u32 s10, v1;
	v23 =	vmov s17;
	(v2sf) =	vpush v6, $0x9  }
0xdd: {  	v25 =	vshll.u32 v23, $0x3  }
0xde: {  	v8 =	vand.u32 $0x77, v23;
	v10 =	vand.u32 $0xC00, v25;
	[sflag:s30] =	ssyncset.done $0x0;
	(v2sf) =	vpush v5, $0x9  }
0xdf: {  	v8 =	vor.u32 v8, v10;
	[sflag:s30] =	ssyncadd.s32 $0xFFFFF000  }
0xe0: {  	v10 =	vor.u32 v2, v8;
	v7 =	vld.idx.msk [tilespmem:v7+s22+$0x0], $0xffff  }
0xe1: {  	s7 =	sand.u32 $0x7F, s7;
	v8 =	vor.u32 v3, v8;
	v9 =	vld.idx.msk [tilespmem:v24+s22+$0x0], $0xffff  }
0xe2: {  	v26 =	vor.u32 s7, v0  }
0xe3: {  	v27 =	vor.u32 s7, v1;
	_ =	sdelay $0x1  }
0xe4: {  	[tilespmem:v10+s26+$0x0] =	vst.idx.msk $0xffff, v7  }
0xe5: {  	[tilespmem:v8+s26+$0x0] =	vst.idx.msk $0xffff, v9  }
0xe6: {  	v7 =	vld.idx.msk [tilespmem:v26+s23+$0x0], $0xffff  }
0xe7: {  	v9 =	vld.idx.msk [tilespmem:v27+s23+$0x0], $0xffff;
	_ =	sdelay $0x2  }
0xe8: {  	s10 =	spop (v2sf)  }
0xe9: {  	[tilespmem:v10+s28+$0x0] =	vst.idx.msk $0xffff, v7;
	s17 =	sand.u32 $0xFFFFF80, s10  }
0xea: {  	[tilespmem:v8+s28+$0x0] =	vst.idx.msk $0xffff, v9;
	s7 =	spop (v2sf);
	s17 =	sadd.s32 s0, s17  }
0xeb: {  	[tilespmem:s22], [sflag:$0x2] =	stream.strided.gather [hbm4b:s17+s20], $0x1000, s18, s20, $0x38;
	[tilespmem:$0x14500] =	vst v63  }
0xec: {  	s17 =	sand.u32 $0xFFFFF80, s7  }
0xed: {  	s17 =	sadd.s32 s1, s17  }
0xee: {  	[tilespmem:s23], [sflag:$0x4] =	stream.strided.gather [hbm4b:s17+s20], $0x1000, s18, s20, $0x38;
	[tilespmem:$0x14500] =	vst v63  }
0xef: {  	_ =	swait.ge [sflag:s24], $0x1000  }
0xf0: {  	[sflag:s24] =	ssyncset.done $0x0  }
0xf1: {  	s9 =	sand.u32 $0x7F, s9;
	[sflag:s24] =	ssyncadd.s32 $0xFFFFF000  }
0xf2: {  	v7 =	vor.u32 s9, v0;
	s17 =	sadd.s32 $0xFFFFFFF9, s5;
	_ =	swait.ge [sflag:s25], $0x1000  }
0xf3: {  	v29 =	vor.u32 s9, v1;
	v28 =	vmov s17;
	(v2sf) =	vpush v6, $0xA  }
0xf4: {  	v30 =	vshll.u32 v28, $0x3  }
0xf5: {  	v8 =	vand.u32 $0x78, v28;
	v10 =	vand.u32 $0xC00, v30;
	[sflag:s25] =	ssyncset.done $0x0;
	(v2sf) =	vpush v5, $0xA  }
0xf6: {  	v8 =	vor.u32 v8, v10;
	[sflag:s25] =	ssyncadd.s32 $0xFFFFF000  }
0xf7: {  	v10 =	vor.u32 v2, v8;
	v7 =	vld.idx.msk [tilespmem:v7+s20+$0x0], $0xffff  }
0xf8: {  	s8 =	sand.u32 $0x7F, s8;
	v8 =	vor.u32 v3, v8;
	v9 =	vld.idx.msk [tilespmem:v29+s20+$0x0], $0xffff  }
0xf9: {  	v31 =	vor.u32 s8, v0  }
0xfa: {  	v32 =	vor.u32 s8, v1;
	_ =	sdelay $0x1  }
0xfb: {  	[tilespmem:v10+s26+$0x0] =	vst.idx.msk $0xffff, v7  }
0xfc: {  	[tilespmem:v8+s26+$0x0] =	vst.idx.msk $0xffff, v9  }
0xfd: {  	v7 =	vld.idx.msk [tilespmem:v31+s21+$0x0], $0xffff  }
0xfe: {  	v9 =	vld.idx.msk [tilespmem:v32+s21+$0x0], $0xffff;
	_ =	sdelay $0x2  }
0xff: {  	s9 =	spop (v2sf)  }
0x100: {  	[tilespmem:v10+s28+$0x0] =	vst.idx.msk $0xffff, v7;
	s17 =	sand.u32 $0xFFFFF80, s9  }
0x101: {  	[tilespmem:v8+s28+$0x0] =	vst.idx.msk $0xffff, v9;
	s8 =	spop (v2sf);
	s17 =	sadd.s32 s0, s17  }
0x102: {  	[tilespmem:s20], [sflag:$0x1] =	stream.strided.gather [hbm4b:s17+s20], $0x1000, s18, s20, $0x38;
	[tilespmem:$0x14500] =	vst v63  }
0x103: {  	s17 =	sand.u32 $0xFFFFF80, s8  }
0x104: {  	s17 =	sadd.s32 s1, s17  }
0x105: {  	[tilespmem:s21], [sflag:$0x3] =	stream.strided.gather [hbm4b:s17+s20], $0x1000, s18, s20, $0x38;
	[tilespmem:$0x14500] =	vst v63  }
0x106: {  	_ =	swait.ge [sflag:s29], $0x1000  }
0x107: {  	[sflag:s29] =	ssyncset.done $0x0  }
0x108: {  	s10 =	sand.u32 $0x7F, s10;
	[sflag:s29] =	ssyncadd.s32 $0xFFFFF000  }
0x109: {  	v7 =	vor.u32 s10, v0;
	s17 =	sadd.s32 $0xFFFFFFFA, s5;
	_ =	swait.ge [sflag:s30], $0x1000  }
0x10a: {  	v34 =	vor.u32 s10, v1;
	v33 =	vmov s17;
	(v2sf) =	vpush v6, $0xB  }
0x10b: {  	v35 =	vshll.u32 v33, $0x3  }
0x10c: {  	v8 =	vand.u32 $0x79, v33;
	v10 =	vand.u32 $0xC00, v35;
	[sflag:s30] =	ssyncset.done $0x0;
	(v2sf) =	vpush v5, $0xB  }
0x10d: {  	v8 =	vor.u32 v8, v10;
	[sflag:s30] =	ssyncadd.s32 $0xFFFFF000  }
0x10e: {  	v10 =	vor.u32 v2, v8;
	v7 =	vld.idx.msk [tilespmem:v7+s22+$0x0], $0xffff  }
0x10f: {  	s7 =	sand.u32 $0x7F, s7;
	v8 =	vor.u32 v3, v8;
	v9 =	vld.idx.msk [tilespmem:v34+s22+$0x0], $0xffff  }
0x110: {  	v36 =	vor.u32 s7, v0  }
0x111: {  	v37 =	vor.u32 s7, v1;
	_ =	sdelay $0x1  }
0x112: {  	[tilespmem:v10+s26+$0x0] =	vst.idx.msk $0xffff, v7  }
0x113: {  	[tilespmem:v8+s26+$0x0] =	vst.idx.msk $0xffff, v9  }
0x114: {  	v7 =	vld.idx.msk [tilespmem:v36+s23+$0x0], $0xffff  }
0x115: {  	v9 =	vld.idx.msk [tilespmem:v37+s23+$0x0], $0xffff;
	_ =	sdelay $0x2  }
0x116: {  	s10 =	spop (v2sf)  }
0x117: {  	[tilespmem:v10+s28+$0x0] =	vst.idx.msk $0xffff, v7;
	s17 =	sand.u32 $0xFFFFF80, s10  }
0x118: {  	[tilespmem:v8+s28+$0x0] =	vst.idx.msk $0xffff, v9;
	s7 =	spop (v2sf);
	s17 =	sadd.s32 s0, s17  }
0x119: {  	[tilespmem:s22], [sflag:$0x2] =	stream.strided.gather [hbm4b:s17+s20], $0x1000, s18, s20, $0x38;
	[tilespmem:$0x14500] =	vst v63  }
0x11a: {  	s17 =	sand.u32 $0xFFFFF80, s7  }
0x11b: {  	s17 =	sadd.s32 s1, s17  }
0x11c: {  	[tilespmem:s23], [sflag:$0x4] =	stream.strided.gather [hbm4b:s17+s20], $0x1000, s18, s20, $0x38;
	[tilespmem:$0x14500] =	vst v63  }
0x11d: {  	_ =	swait.ge [sflag:s24], $0x1000  }
0x11e: {  	[sflag:s24] =	ssyncset.done $0x0  }
0x11f: {  	s9 =	sand.u32 $0x7F, s9;
	[sflag:s24] =	ssyncadd.s32 $0xFFFFF000  }
0x120: {  	v7 =	vor.u32 s9, v0;
	s17 =	sadd.s32 $0xFFFFFFFB, s5;
	_ =	swait.ge [sflag:s25], $0x1000  }
0x121: {  	v39 =	vor.u32 s9, v1;
	v38 =	vmov s17;
	(v2sf) =	vpush v6, $0xC  }
0x122: {  	v40 =	vshll.u32 v38, $0x3  }
0x123: {  	v8 =	vand.u32 $0x7A, v38;
	v10 =	vand.u32 $0xC00, v40;
	[sflag:s25] =	ssyncset.done $0x0;
	(v2sf) =	vpush v5, $0xC  }
0x124: {  	v8 =	vor.u32 v8, v10;
	[sflag:s25] =	ssyncadd.s32 $0xFFFFF000  }
0x125: {  	v10 =	vor.u32 v2, v8;
	v7 =	vld.idx.msk [tilespmem:v7+s20+$0x0], $0xffff  }
0x126: {  	s8 =	sand.u32 $0x7F, s8;
	v8 =	vor.u32 v3, v8;
	v9 =	vld.idx.msk [tilespmem:v39+s20+$0x0], $0xffff  }
0x127: {  	v41 =	vor.u32 s8, v0  }
0x128: {  	v42 =	vor.u32 s8, v1;
	_ =	sdelay $0x1  }
0x129: {  	[tilespmem:v10+s26+$0x0] =	vst.idx.msk $0xffff, v7  }
0x12a: {  	[tilespmem:v8+s26+$0x0] =	vst.idx.msk $0xffff, v9  }
0x12b: {  	v7 =	vld.idx.msk [tilespmem:v41+s21+$0x0], $0xffff  }
0x12c: {  	v9 =	vld.idx.msk [tilespmem:v42+s21+$0x0], $0xffff;
	_ =	sdelay $0x2  }
0x12d: {  	s9 =	spop (v2sf)  }
0x12e: {  	[tilespmem:v10+s28+$0x0] =	vst.idx.msk $0xffff, v7;
	s17 =	sand.u32 $0xFFFFF80, s9  }
0x12f: {  	[tilespmem:v8+s28+$0x0] =	vst.idx.msk $0xffff, v9;
	s8 =	spop (v2sf);
	s17 =	sadd.s32 s0, s17  }
0x130: {  	[tilespmem:s20], [sflag:$0x1] =	stream.strided.gather [hbm4b:s17+s20], $0x1000, s18, s20, $0x38;
	[tilespmem:$0x14500] =	vst v63  }
0x131: {  	s17 =	sand.u32 $0xFFFFF80, s8  }
0x132: {  	s17 =	sadd.s32 s1, s17  }
0x133: {  	[tilespmem:s21], [sflag:$0x3] =	stream.strided.gather [hbm4b:s17+s20], $0x1000, s18, s20, $0x38;
	[tilespmem:$0x14500] =	vst v63  }
0x134: {  	_ =	swait.ge [sflag:s29], $0x1000  }
0x135: {  	[sflag:s29] =	ssyncset.done $0x0  }
0x136: {  	s10 =	sand.u32 $0x7F, s10;
	[sflag:s29] =	ssyncadd.s32 $0xFFFFF000  }
0x137: {  	v7 =	vor.u32 s10, v0;
	s17 =	sadd.s32 $0xFFFFFFFC, s5;
	_ =	swait.ge [sflag:s30], $0x1000  }
0x138: {  	v44 =	vor.u32 s10, v1;
	v43 =	vmov s17;
	(v2sf) =	vpush v6, $0xD  }
0x139: {  	v45 =	vshll.u32 v43, $0x3  }
0x13a: {  	v8 =	vand.u32 $0x7B, v43;
	v10 =	vand.u32 $0xC00, v45;
	[sflag:s30] =	ssyncset.done $0x0;
	(v2sf) =	vpush v5, $0xD  }
0x13b: {  	v8 =	vor.u32 v8, v10;
	[sflag:s30] =	ssyncadd.s32 $0xFFFFF000  }
0x13c: {  	v10 =	vor.u32 v2, v8;
	v7 =	vld.idx.msk [tilespmem:v7+s22+$0x0], $0xffff  }
0x13d: {  	s7 =	sand.u32 $0x7F, s7;
	v8 =	vor.u32 v3, v8;
	v9 =	vld.idx.msk [tilespmem:v44+s22+$0x0], $0xffff  }
0x13e: {  	v46 =	vor.u32 s7, v0  }
0x13f: {  	v47 =	vor.u32 s7, v1;
	_ =	sdelay $0x1  }
0x140: {  	[tilespmem:v10+s26+$0x0] =	vst.idx.msk $0xffff, v7  }
0x141: {  	[tilespmem:v8+s26+$0x0] =	vst.idx.msk $0xffff, v9  }
0x142: {  	v7 =	vld.idx.msk [tilespmem:v46+s23+$0x0], $0xffff  }
0x143: {  	v9 =	vld.idx.msk [tilespmem:v47+s23+$0x0], $0xffff;
	_ =	sdelay $0x2  }
0x144: {  	s10 =	spop (v2sf)  }
0x145: {  	[tilespmem:v10+s28+$0x0] =	vst.idx.msk $0xffff, v7;
	s17 =	sand.u32 $0xFFFFF80, s10  }
0x146: {  	[tilespmem:v8+s28+$0x0] =	vst.idx.msk $0xffff, v9;
	s7 =	spop (v2sf);
	s17 =	sadd.s32 s0, s17  }
0x147: {  	[tilespmem:s22], [sflag:$0x2] =	stream.strided.gather [hbm4b:s17+s20], $0x1000, s18, s20, $0x38;
	[tilespmem:$0x14500] =	vst v63  }
0x148: {  	s17 =	sand.u32 $0xFFFFF80, s7  }
0x149: {  	s17 =	sadd.s32 s1, s17  }
0x14a: {  	[tilespmem:s23], [sflag:$0x4] =	stream.strided.gather [hbm4b:s17+s20], $0x1000, s18, s20, $0x38;
	[tilespmem:$0x14500] =	vst v63  }
0x14b: {  	_ =	swait.ge [sflag:s24], $0x1000  }
0x14c: {  	[sflag:s24] =	ssyncset.done $0x0  }
0x14d: {  	s9 =	sand.u32 $0x7F, s9;
	[sflag:s24] =	ssyncadd.s32 $0xFFFFF000  }
0x14e: {  	v7 =	vor.u32 s9, v0;
	s17 =	sadd.s32 $0xFFFFFFFD, s5;
	_ =	swait.ge [sflag:s25], $0x1000  }
0x14f: {  	v49 =	vor.u32 s9, v1;
	v48 =	vmov s17;
	(v2sf) =	vpush v6, $0xE  }
0x150: {  	v50 =	vshll.u32 v48, $0x3  }
0x151: {  	v8 =	vand.u32 $0x7C, v48;
	v10 =	vand.u32 $0xC00, v50;
	[sflag:s25] =	ssyncset.done $0x0;
	(v2sf) =	vpush v5, $0xE  }
0x152: {  	v8 =	vor.u32 v8, v10;
	[sflag:s25] =	ssyncadd.s32 $0xFFFFF000  }
0x153: {  	v10 =	vor.u32 v2, v8;
	v7 =	vld.idx.msk [tilespmem:v7+s20+$0x0], $0xffff  }
0x154: {  	s8 =	sand.u32 $0x7F, s8;
	v8 =	vor.u32 v3, v8;
	v9 =	vld.idx.msk [tilespmem:v49+s20+$0x0], $0xffff  }
0x155: {  	v51 =	vor.u32 s8, v0  }
0x156: {  	v52 =	vor.u32 s8, v1;
	_ =	sdelay $0x1  }
0x157: {  	[tilespmem:v10+s26+$0x0] =	vst.idx.msk $0xffff, v7  }
0x158: {  	[tilespmem:v8+s26+$0x0] =	vst.idx.msk $0xffff, v9  }
0x159: {  	v7 =	vld.idx.msk [tilespmem:v51+s21+$0x0], $0xffff  }
0x15a: {  	v9 =	vld.idx.msk [tilespmem:v52+s21+$0x0], $0xffff;
	_ =	sdelay $0x2  }
0x15b: {  	s9 =	spop (v2sf)  }
0x15c: {  	[tilespmem:v10+s28+$0x0] =	vst.idx.msk $0xffff, v7;
	s17 =	sand.u32 $0xFFFFF80, s9  }
0x15d: {  	[tilespmem:v8+s28+$0x0] =	vst.idx.msk $0xffff, v9;
	s8 =	spop (v2sf);
	s17 =	sadd.s32 s0, s17  }
0x15e: {  	[tilespmem:s20], [sflag:$0x1] =	stream.strided.gather [hbm4b:s17+s20], $0x1000, s18, s20, $0x38;
	[tilespmem:$0x14500] =	vst v63  }
0x15f: {  	s17 =	sand.u32 $0xFFFFF80, s8  }
0x160: {  	s17 =	sadd.s32 s1, s17  }
0x161: {  	[tilespmem:s21], [sflag:$0x3] =	stream.strided.gather [hbm4b:s17+s20], $0x1000, s18, s20, $0x38;
	[tilespmem:$0x14500] =	vst v63  }
0x162: {  	_ =	swait.ge [sflag:s29], $0x1000  }
0x163: {  	[sflag:s29] =	ssyncset.done $0x0  }
0x164: {  	s10 =	sand.u32 $0x7F, s10;
	[sflag:s29] =	ssyncadd.s32 $0xFFFFF000  }
0x165: {  	v7 =	vor.u32 s10, v0;
	s17 =	sadd.s32 $0xFFFFFFFE, s5;
	_ =	swait.ge [sflag:s30], $0x1000  }
0x166: {  	v54 =	vor.u32 s10, v1;
	v53 =	vmov s17;
	(v2sf) =	vpush v6, $0xF  }
0x167: {  	v6 =	vshll.u32 v53, $0x3  }
0x168: {  	v8 =	vand.u32 $0x7D, v53;
	[sflag:s30] =	ssyncset.done $0x0;
	v6 =	vand.u32 $0xC00, v6;
	(v2sf) =	vpush v5, $0xF  }
0x169: {  	[sflag:s30] =	ssyncadd.s32 $0xFFFFF000;
	v5 =	vor.u32 v8, v6  }
0x16a: {  	v6 =	vld.idx.msk [tilespmem:v7+s22+$0x0], $0xffff;
	v7 =	vor.u32 v2, v5  }
0x16b: {  	s7 =	sand.u32 $0x7F, s7;
	v55 =	vld.idx.msk [tilespmem:v54+s22+$0x0], $0xffff;
	v5 =	vor.u32 v3, v5  }
0x16c: {  	v56 =	vor.u32 s7, v0  }
0x16d: {  	v57 =	vor.u32 s7, v1;
	_ =	sdelay $0x1  }
0x16e: {  	[tilespmem:v7+s26+$0x0] =	vst.idx.msk $0xffff, v6  }
0x16f: {  	[tilespmem:v5+s26+$0x0] =	vst.idx.msk $0xffff, v55  }
0x170: {  	v6 =	vld.idx.msk [tilespmem:v56+s23+$0x0], $0xffff  }
0x171: {  	v8 =	vld.idx.msk [tilespmem:v57+s23+$0x0], $0xffff;
	_ =	sdelay $0x2  }
0x172: {  	s7 =	spop (v2sf)  }
0x173: {  	[tilespmem:v7+s28+$0x0] =	vst.idx.msk $0xffff, v6;
	s10 =	sand.u32 $0xFFFFF80, s7  }
0x174: {  	[tilespmem:v5+s28+$0x0] =	vst.idx.msk $0xffff, v8;
	s17 =	spop (v2sf);
	s10 =	sadd.s32 s0, s10  }
0x175: {  	[tilespmem:s22], [sflag:$0x2] =	stream.strided.gather [hbm4b:s10+s20], $0x1000, s18, s20, $0x38;
	[tilespmem:$0x14500] =	vst v63  }
0x176: {  	s10 =	sand.u32 $0xFFFFF80, s17  }
0x177: {  	s10 =	sadd.s32 s1, s10  }
0x178: {  	[tilespmem:s23], [sflag:$0x4] =	stream.strided.gather [hbm4b:s10+s20], $0x1000, s18, s20, $0x38;
	[tilespmem:$0x14500] =	vst v63  }
0x179: {  	s9 =	sand.u32 $0x7F, s9;
	_ =	swait.ge [sflag:s24], $0x1000  }
0x17a: {  	v5 =	vor.u32 s9, v0;
	s10 =	sadd.s32 $0xFFFFFFFF, s5;
	[sflag:s24] =	ssyncset.done $0x0  }
0x17b: {  	v7 =	vor.u32 s9, v1;
	v6 =	vmov s10;
	[sflag:s24] =	ssyncadd.s32 $0xFFFFF000  }
0x17c: {  	v58 =	vshll.u32 v6, $0x3;
	_ =	swait.ge [sflag:s25], $0x1000  }
0x17d: {  	v6 =	vand.u32 $0x7E, v6;
	v8 =	vand.u32 $0xC00, v58;
	[sflag:s25] =	ssyncset.done $0x0  }
0x17e: {  	v6 =	vor.u32 v6, v8;
	[sflag:s25] =	ssyncadd.s32 $0xFFFFF000  }
0x17f: {  	v8 =	vor.u32 v2, v6;
	v5 =	vld.idx.msk [tilespmem:v5+s20+$0x0], $0xffff  }
0x180: {  	s8 =	sand.u32 $0x7F, s8;
	v6 =	vor.u32 v3, v6;
	v7 =	vld.idx.msk [tilespmem:v7+s20+$0x0], $0xffff  }
0x181: {  	v59 =	vor.u32 s8, v0  }
0x182: {  	v60 =	vor.u32 s8, v1;
	_ =	sdelay $0x1  }
0x183: {  	[tilespmem:v8+s26+$0x0] =	vst.idx.msk $0xffff, v5  }
0x184: {  	[tilespmem:v6+s26+$0x0] =	vst.idx.msk $0xffff, v7  }
0x185: {  	v5 =	vld.idx.msk [tilespmem:v59+s21+$0x0], $0xffff  }
0x186: {  	v7 =	vld.idx.msk [tilespmem:v60+s21+$0x0], $0xffff;
	_ =	sdelay $0x3  }
0x187: {  	[tilespmem:v8+s28+$0x0] =	vst.idx.msk $0xffff, v5  }
0x188: {  	[tilespmem:v6+s28+$0x0] =	vst.idx.msk $0xffff, v7  }
0x189: {  	s7 =	sand.u32 $0x7F, s7;
	_ =	swait.ge [sflag:s29], $0x1000  }
0x18a: {  	v5 =	vor.u32 s7, v0;
	[sflag:s29] =	ssyncset.done $0x0  }
0x18b: {  	v6 =	vmov s5;
	v7 =	vor.u32 s7, v1;
	[sflag:s29] =	ssyncadd.s32 $0xFFFFF000  }
0x18c: {  	v61 =	vshll.u32 v6, $0x3;
	_ =	swait.ge [sflag:s30], $0x1000  }
0x18d: {  	v6 =	vand.u32 $0x7F, v6;
	v8 =	vand.u32 $0xC00, v61;
	[sflag:s30] =	ssyncset.done $0x0  }
0x18e: {  	v6 =	vor.u32 v6, v8;
	[sflag:s30] =	ssyncadd.s32 $0xFFFFF000  }
0x18f: {  	v8 =	vor.u32 v2, v6;
	v5 =	vld.idx.msk [tilespmem:v5+s22+$0x0], $0xffff  }
0x190: {  	s17 =	sand.u32 $0x7F, s17;
	v6 =	vor.u32 v3, v6;
	v7 =	vld.idx.msk [tilespmem:v7+s22+$0x0], $0xffff  }
0x191: {  	v62 =	vor.u32 s17, v0  }
0x192: {  	v63 =	vor.u32 s17, v1;
	_ =	sdelay $0x1  }
0x193: {  	[tilespmem:v8+s26+$0x0] =	vst.idx.msk $0xffff, v5  }
0x194: {  	[tilespmem:v6+s26+$0x0] =	vst.idx.msk $0xffff, v7  }
0x195: {  	v5 =	vld.idx.msk [tilespmem:v62+s23+$0x0], $0xffff  }
0x196: {  	p0 =	sne.s32 s5, $0x1FF;
	v7 =	vld.idx.msk [tilespmem:v63+s23+$0x0], $0xffff  }
.Ltmp0:
0x197: {  	_ = 	snop;
	(pc) =	sbr.rel @p0 .LBB2_2-.Ltmp0, $3  }
0x198: {  	_ =	sdelay $0x1  }
0x199: {  	[tilespmem:v8+s28+$0x0] =	vst.idx.msk $0xffff, v5  }
0x19a: {  	s6 =	sadd.s32 $0x10, s6;
	s3 =	sadd.s32 $0x10, s3;
	s5 =	sadd.s32 $0x10, s5;
	[tilespmem:v6+s28+$0x0] =	vst.idx.msk $0xffff, v7  }
0x19b: {  	_ =	swait.ge [sflag:s31], $0x4000  }
0x19c: {  	[sflag:s31] =	ssyncset.done $0x0  }
0x19d: {  	[sflag:s31] =	ssyncadd.s32 $0xFFFFC000  }
0x19e: {  	_ =	swait.ge [sflag:s31], $0x4000  }
0x19f: {  	[sflag:s31] =	ssyncset.done $0x0  }
0x1a0: {  	[sflag:s31] =	ssyncadd.s32 $0xFFFFC000  }
0x1a1: {  	[tilespmem:$0x14400] =	vst v4  }
0x1a2: {  	s3 =	simm.s32 $0x0;
	s5 =	simm.s32 $0x0;
	[tilespmem:$0x14480] =	vst v4  }
.LBB2_4:
0x1a3: {  	s6 =	sshll.u32 s5, $0x9;
	s7 =	sshll.u32 s5, $0x7  }
0x1a4: {  	s6 =	sand.u32 $0x3000, s6;
	s7 =	sand.u32 $0x380, s7  }
0x1a5: {  	s17 =	sand.u32 $0xC00, s3;
	s6 =	sor.u32 s6, s7  }
0x1a6: {  	s8 =	sand.u32 $0x70, s3;
	s7 =	sor.u32 s17, s6  }
0x1a7: {  	s9 =	sor.u32 s8, s7  }
0x1a8: {  	s7 =	simm.s32 $0x10;
	s8 =	simm.s32 $0x0;
	v5 =	vld [tilespmem:s9+$0x10400]  }
.LBB2_5:
0x1a9: {  	p0 =	sne.s32 s7, $0x1F0;
	v6 =	vld [tilespmem:s9+$0xC400]  }
0x1aa: {  	v7 =	vld [tilespmem:s9+$0x4400]  }
0x1ab: {  	v8 =	vld [tilespmem:s9+$0x8400];
	_ =	sdelay $0x3  }
0x1ac: {  	v9 =	vadd.f32 v6, v7;
	v7 =	vsub.f32 v7, v5  }
0x1ad: {  	v5 =	vadd.f32 v5, v8  }
0x1ae: {  	[tilespmem:s9+$0xC400] =	vst v9;
	v7 =	vmul.f32 v7, v7  }
0x1af: {  	[tilespmem:s9+$0x10400] =	vst v5  }
0x1b0: {  	v5 =	vld [tilespmem:$0x14480]  }
0x1b1: {  	v6 =	vsub.f32 v8, v6;
	v8 =	vld [tilespmem:$0x14400];
	_ =	sdelay $0x1  }
0x1b2: {  	v6 =	vmul.f32 v6, v6;
	_ =	sdelay $0x1  }
.Ltmp1:
0x1b3: {  	s8 =	sadd.s32 $0x80, s8;
	v5 =	vadd.f32 v5, v6;
	(pc) =	sbr.rel @p0 .LBB2_5-.Ltmp1, $4  }
0x1b4: {  	s9 =	sand.u32 $0xC00, s8;
	v6 =	vadd.f32 v8, v7  }
0x1b5: {  	s10 =	sand.u32 $0x70, s7;
	s9 =	sor.u32 s9, s6;
	[tilespmem:$0x14480] =	vst v5  }
0x1b6: {  	s9 =	sor.u32 s10, s9;
	[tilespmem:$0x14400] =	vst v6  }
0x1b7: {  	s7 =	sadd.s32 $0x10, s7;
	v5 =	vld [tilespmem:s9+$0x10400]  }
0x1b8: {  	v6 =	vld [tilespmem:s9+$0xC400]  }
0x1b9: {  	v7 =	vld [tilespmem:s9+$0x4400]  }
0x1ba: {  	v8 =	vld [tilespmem:s9+$0x8400];
	_ =	sdelay $0x3  }
0x1bb: {  	v9 =	vadd.f32 v6, v7  }
0x1bc: {  	v10 =	vadd.f32 v5, v8  }
0x1bd: {  	[tilespmem:s9+$0xC400] =	vst v9  }
0x1be: {  	[tilespmem:s9+$0x10400] =	vst v10  }
0x1bf: {  	v9 =	vld [tilespmem:$0x14480]  }
0x1c0: {  	v6 =	vsub.f32 v8, v6;
	v63 =	vld [tilespmem:$0x14400]  }
0x1c1: {  	s5 =	sadd.s32 $0x1, s5;
	v5 =	vsub.f32 v7, v5  }
0x1c2: {  	p0 =	sne.s32 s5, $0x20;
	v6 =	vmul.f32 v6, v6  }
.Ltmp2:
0x1c3: {  	v5 =	vmul.f32 v5, v5;
	(pc) =	sbr.rel @p0 .LBB2_4-.Ltmp2, $4  }
0x1c4: {  	v6 =	vadd.f32 v9, v6  }
0x1c5: {  	v5 =	vadd.f32 v63, v5  }
0x1c6: {  	[tilespmem:$0x14480] =	vst v6  }
0x1c7: {  	[tilespmem:$0x14400] =	vst v5  }
0x1c8: {  	s3 =	rddreg [dreg:$0xe];
	s6 =	simm.s32 $0xC400  }
0x1c9: {  	[hbm4b:s3+s14] =	stream.strided.scatter [tilespmem:s6], [sflag:$0x6], $0x4000, s15, s14, $0x38;
	[tilespmem:$0x14500] =	vst v63  }
0x1ca: {  	_ =	swait.ge [sflag:s16], $0x4000  }
0x1cb: {  	[sflag:s16] =	ssyncset.done $0x0  }
0x1cc: {  	s9 =	rddreg [dreg:$0xf];
	[sflag:s16] =	ssyncadd.s32 $0xFFFFC000  }
0x1cd: {  	[hbm4b:s9+s14] =	stream.strided.scatter [tilespmem:s19], [sflag:$0x6], $0x4000, s15, s14, $0x38;
	[tilespmem:$0x14500] =	vst v63  }
0x1ce: {  	_ =	swait.ge [sflag:s16], $0x4000  }
0x1cf: {  	[sflag:s16] =	ssyncset.done $0x0  }
0x1d0: {  	s10 =	simm.s32 $0x14400;
	[sflag:s16] =	ssyncadd.s32 $0xFFFFC000  }
0x1d1: {  	[hbm4b:s11+s4] =	stream.linear.scatter [tilespmem:s10], [sflag:$0x6], $0x80, $0x38;
	[tilespmem:$0x14500] =	vst v63  }
0x1d2: {  	s2 =	sadd.s32 $0x1, s2;
	_ =	swait.ge [sflag:s16], $0x80  }
0x1d3: {  	p0 =	sne.s32 s2, s13;
	[sflag:s16] =	ssyncset.done $0x0  }
.Ltmp3:
0x1d4: {  	s17 =	simm.s32 $0x14480;
	[sflag:s16] =	ssyncadd.s32 $0xFFFFFF80;
	(pc) =	sbr.rel @p0 .LBB2_1-.Ltmp3, $4  }
0x1d5: {  	[hbm4b:s12+s4] =	stream.linear.scatter [tilespmem:s17], [sflag:$0x6], $0x80, $0x38;
	[tilespmem:$0x14500] =	vst v63  }
0x1d6: {  	_ =	swait.ge [sflag:s16], $0x80  }
0x1d7: {  	[sflag:s16] =	ssyncset.done $0x0  }
0x1d8: {  	[sflag:s16] =	ssyncadd.s32 $0xFFFFFF80  }
0x1d9: {  	_ =	sfence.sel $0x180000  }
0x1da: {  	[bflag:$0x0] =	sbarrier.arrive $0xFFFF  }
0x1db: {  	_ =	strace $0x90000047  }
0x1dc: {  	s0 =	stileid.u32;
	[bflag:$0x2] =	sbarrier.arrive $0xFFFF  }
0x1dd: {  	p0 =	sne.s32 s0, $0x0;
	s0 =	rddreg [dreg:$0x9]  }
0x1de: {  	s0 =	sadd.s32 @!p0 $0x100000, s0  }
0x1df: {  	[sflag:s0] =	ssyncadd.tile.s32 @!p0 $0x1;
	_ =	shalt  }
.Lfunc_end2:
_tile_overlayer_lowered:
.L_overlay_start_2:
0x1e0: {  	(tag) =	ssettag $0x2  }
0x1e1: {  	s0 =	rddreg [dreg:$0x0];
	s2 =	stileid.u32  }
0x1e2: {  	s1 =	rddreg [dreg:$0x1];
	p0 =	sne.s32 s2, $0x0  }
0x1e3: {  	s3 =	rddreg [dreg:$0x2];
	[bflag:$0x3] =	sbarrier.arrive $0xFFFF;
	s2 =	simm.s32 @!p0 $0x1C06  }
0x1e4: {  	[timem:s3], [sflag:s2] =	dma.local @!p0 [hbm:s0], s1  }
0x1e5: {  	s0 =	simm.s32 @!p0 $0x6  }
0x1e6: {  	_ =	swait.ge @!p0 [sflag:s0], s1  }
0x1e7: {  	s1 =	ssub.s32 @!p0 $0x0, s1;
	[sflag:s0] =	ssyncset.done @!p0 $0x0  }
0x1e8: {  	[sflag:s0] =	ssyncadd.s32 @!p0 s1  }
0x1e9: {  	[bflag:$0x3] =	sbarrier.arrive $0xFFFF  }
0x1ea: {  	_ =	shalt  }

</sc_bundles>
